<compile_context>
chip_gen: v7x
topology: tpu7x:2x2x1
jax: 0.10.2.dev20260603
libtpu: 0.0.44.dev20260713+nightly
codegen_flags: <defaults>
</compile_context>

<pallas_src>
import functools
import numpy as np
import jax
import jax.numpy as jnp
from jax import lax
from jax.experimental import pallas as pl
from jax.experimental.pallas import tpu as pltpu
from jax.experimental.pallas import tpu_sc as plsc

DT = 0.01
MAX_T = 2.0
STEPS = 200
N = 100000
NWORK = 25
TPW = 3968
TAIL = N - NWORK * TPW
NCHUNK = STEPS // 8
BIG = 1e9


def _sc_kernel(x_hbm, scal_hbm, noise_hbm, pr_hbm, pc_hbm,
               scal_v, xbuf, nzbuf, dv_v, mu_v, ml_v, ds_v, pr_v, pc_v):
    wid = lax.axis_index("s") * 2 + lax.axis_index("c")

    def run(base, tpw):
        ng = tpw // 16
        pltpu.sync_copy(scal_hbm, scal_v)
        pltpu.sync_copy(x_hbm.at[pl.ds(base, tpw)], xbuf.at[pl.ds(0, tpw)])

        av = scal_v[0, :]
        zv = scal_v[1, :]
        ndtv = scal_v[2, :]
        gv = scal_v[3, :]
        th_hi = av - 1e-6 - zv * av
        th_lo = -av + 1e-6 - zv * av
        big16 = jnp.full((16,), BIG, jnp.float32)

        def init_g(g, _):
            sl = pl.ds(g * 16, 16)
            dv_v[sl] = zv * av
            mu_v[sl] = big16
            ml_v[sl] = big16
            ds_v[sl] = gv * DT * xbuf[sl]
            return _
        lax.fori_loop(0, ng, init_g, None)

        def chunk(tc, _):
            for st in range(8):
                pltpu.sync_copy(
                    noise_hbm.at[pl.ds((tc * 8 + st) * N + base, tpw)],
                    nzbuf.at[pl.ds(st * TPW, tpw)])
            t0 = jnp.full((16,), 8.0, jnp.float32) * tc.astype(jnp.float32)

            def group(g, _):
                sl = pl.ds(g * 16, 16)
                d16 = ds_v[sl]
                dv = dv_v[sl]
                mu = mu_v[sl]
                ml = ml_v[sl]
                for st in range(8):
                    nz = nzbuf[pl.ds(st * TPW + g * 16, 16)]
                    dv = dv + d16 + nz
                    tv = t0 + np.float32(st)
                    mu = jnp.minimum(mu, jnp.where(dv >= th_hi, tv, big16))
                    ml = jnp.minimum(ml, jnp.where(dv <= th_lo, tv, big16))
                dv_v[sl] = dv
                mu_v[sl] = mu
                ml_v[sl] = ml
                return _
            lax.fori_loop(0, ng, group, None)
            return _
        lax.fori_loop(0, NCHUNK, chunk, None)

        def fin(g, _):
            sl = pl.ds(g * 16, 16)
            mu = mu_v[sl]
            ml = ml_v[sl]
            tf = jnp.minimum(mu, ml)
            hit = tf < big16
            pr_v[sl] = jnp.where(hit, tf * DT + ndtv, MAX_T + ndtv)
            pc_v[sl] = jnp.where(
                hit, jnp.where(mu <= ml, 1.0, 0.0), 0.5)
            return _
        lax.fori_loop(0, ng, fin, None)

        pltpu.sync_copy(pr_v.at[pl.ds(0, tpw)], pr_hbm.at[pl.ds(base, tpw)])
        pltpu.sync_copy(pc_v.at[pl.ds(0, tpw)], pc_hbm.at[pl.ds(base, tpw)])

    @pl.when(wid < NWORK)
    def _():
        run(wid * TPW, TPW)

    @pl.when(wid == NWORK)
    def _():
        run(NWORK * TPW, TAIL)


@jax.jit
def kernel(x, a, z, ndt, drift_gain, noise):
    xf = x.reshape(-1)
    scal = jnp.stack([jnp.full((16,), v, jnp.float32)
                      for v in (a, z, ndt, drift_gain)])
    run = functools.partial(
        pl.kernel,
        mesh=plsc.VectorSubcoreMesh(core_axis_name="c", subcore_axis_name="s"),
        out_type=[
            jax.ShapeDtypeStruct((N,), jnp.float32),
            jax.ShapeDtypeStruct((N,), jnp.float32),
        ],
        scratch_types=[
            pltpu.VMEM((4, 16), jnp.float32),
            pltpu.VMEM((TPW,), jnp.float32),
            pltpu.VMEM((8 * TPW,), jnp.float32),
            pltpu.VMEM((TPW,), jnp.float32),
            pltpu.VMEM((TPW,), jnp.float32),
            pltpu.VMEM((TPW,), jnp.float32),
            pltpu.VMEM((TPW,), jnp.float32),
            pltpu.VMEM((TPW,), jnp.float32),
            pltpu.VMEM((TPW,), jnp.float32),
        ],
    )(_sc_kernel)
    pr, pc = run(xf, scal, noise.reshape(-1))
    return pr, pc

# --- scband reference (transcript-rebuilt; emitter-appended) ---
"""Pipeline reference for scband-differentiable-ddmtrainer-36112085025058 (READ-ONLY COPY).

The authoritative reference and input builder live on the scoring server;
editing this copy changes nothing except your own understanding.
"""

import jax, jax.numpy as jnp
import numpy as np

DT = 0.01
MAX_T = 2.0
SIGMA = 1.0
STEPS = int(MAX_T / DT)  # 200
N = 100000


def setup_inputs(seed: int = 0) -> dict:
    key = jax.random.key(seed)
    k1, k2 = jax.random.split(key)
    x = jax.random.normal(k1, (N, 1), dtype=jnp.float32)
    # Pre-draw the per-step Wiener noise (torch draws randn each step inside the loop).
    noise = jax.random.normal(k2, (STEPS, N), dtype=jnp.float32) * (SIGMA * np.sqrt(DT).astype(np.float32))
    return {
        "x": x,
        "a": jnp.float32(1.0),
        "z": jnp.float32(0.0),
        "ndt": jnp.float32(0.3),
        "drift_gain": jnp.float32(1.0),
        "noise": noise,
    }


def reference(x, a, z, ndt, drift_gain, noise):
    n = x.shape[0]
    drift = drift_gain * jnp.squeeze(x, axis=-1)
    dv0 = jnp.zeros((n,), jnp.float32) + z * a
    pred_rt0 = jnp.zeros((n,), jnp.float32)
    pred_choice0 = jnp.zeros((n,), jnp.float32)
    active0 = jnp.ones((n,), dtype=bool)

    def step(carry, inp):
        t, nz = inp
        dv, pr, pc, act = carry
        # dv[active] += drift[active]*dt + noise  (masked update instead of fancy-index scatter)
        dv = jnp.where(act, dv + drift * DT + nz, dv)
        hit_upper = act & (dv >= a - 1e-6)
        hit_lower = act & (dv <= -a + 1e-6)
        just_hit = hit_upper | hit_lower
        pr = jnp.where(just_hit, t * DT + ndt, pr)
        pc = jnp.where(just_hit, hit_upper.astype(jnp.float32), pc)
        act = act & (~just_hit)
        return (dv, pr, pc, act), None

    ts = jnp.arange(STEPS, dtype=jnp.float32)
    (dv, pr, pc, act), _ = jax.lax.scan(step, (dv0, pred_rt0, pred_choice0, active0), (ts, noise))
    pr = jnp.where(act, MAX_T + ndt, pr)
    pc = jnp.where(act, 0.5, pc)
    return pr, pc

if __name__ == "__main__":
    import jax
    _d = setup_inputs()
    print(jax.jit(kernel)(*tuple(_d.values())))

</pallas_src>

<mosaic_0001>
#map = affine_map<(d0, d1) -> (0)>
#map1 = affine_map<(d0, d1) -> (0, 0)>
module attributes {stable_mosaic.version = 14 : i64} {
  func.func @_sc_kernel(%arg0: i32, %arg1: i32, %arg2: memref<100000xf32, #tpu.memory_space<hbm>>, %arg3: memref<4x16xf32, #tpu.memory_space<hbm>>, %arg4: memref<20000000xf32, #tpu.memory_space<hbm>>, %arg5: memref<100000xf32, #tpu.memory_space<hbm>>, %arg6: memref<100000xf32, #tpu.memory_space<hbm>>, %arg7: memref<4x16xf32, #tpu.memory_space<vmem>>, %arg8: memref<3968xf32, #tpu.memory_space<vmem>>, %arg9: memref<31744xf32, #tpu.memory_space<vmem>>, %arg10: memref<3968xf32, #tpu.memory_space<vmem>>, %arg11: memref<3968xf32, #tpu.memory_space<vmem>>, %arg12: memref<3968xf32, #tpu.memory_space<vmem>>, %arg13: memref<3968xf32, #tpu.memory_space<vmem>>, %arg14: memref<3968xf32, #tpu.memory_space<vmem>>, %arg15: memref<3968xf32, #tpu.memory_space<vmem>>) attributes {dimension_semantics = [#tpu.dimension_semantics<core_parallel>, #tpu.dimension_semantics<subcore_parallel>], iteration_bounds = array<i64: 2, 16>, scalar_prefetch = 0 : i64, scratch_operands = 9 : i64, tpu.core_type = #tpu.core_type<sc_vector_subcore>, window_params = [{transform_indices = #map}, {transform_indices = #map1}, {transform_indices = #map}, {transform_indices = #map}, {transform_indices = #map}]} {
    %mul3A = arith.constant 2 : i32
    %mul3A_0 = arith.muli %arg1, %mul3A : i32
    %add3A = arith.addi %mul3A_0, %arg0 : i32
    %lt3A = arith.constant 25 : i32
    %lt3A_1 = arith.cmpi slt, %add3A, %lt3A : i32
    %convert_element_type3A = arith.extui %lt3A_1 : i1 to i32
    %cond3A = arith.constant 0 : i32
    %cond3A_2 = arith.cmpi ne, %convert_element_type3A, %cond3A : i32
    scf.if %cond3A_2 {
      %mul3A_7 = arith.constant 3968 : i32
      %mul3A_8 = arith.muli %add3A, %mul3A_7 : i32
      "tpu.region"() ({
        %run_scoped3A = tpu.sem_alloc : memref<!tpu.dma_semaphore, #tpu.memory_space<semaphore_mem>>
        tpu.enqueue_dma source(%arg3 : memref<4x16xf32, #tpu.memory_space<hbm>>) target(%arg7 : memref<4x16xf32, #tpu.memory_space<vmem>>) target_semaphore(%run_scoped3A : memref<!tpu.dma_semaphore, #tpu.memory_space<semaphore_mem>>)
        tpu.wait_dma2 semaphore(%run_scoped3A : memref<!tpu.dma_semaphore, #tpu.memory_space<semaphore_mem>>) src(%arg3 : memref<4x16xf32, #tpu.memory_space<hbm>>) dst(%arg7 : memref<4x16xf32, #tpu.memory_space<vmem>>)
        tpu.yield
      }) : () -> ()
      "tpu.region"() ({
        %run_scoped3A = tpu.sem_alloc : memref<!tpu.dma_semaphore, #tpu.memory_space<semaphore_mem>>
        %dma_start3A = arith.constant 0 : i32
        %dma_start3A_54 = tpu.memref_slice %arg8[%dma_start3A] : memref<3968xf32, #tpu.memory_space<vmem>> -> memref<3968xf32, #tpu.memory_space<vmem>>
        %dma_start3A_55 = tpu.memref_slice %arg2[%mul3A_8] : memref<100000xf32, #tpu.memory_space<hbm>> -> memref<3968xf32, #tpu.memory_space<hbm>>
        %dma_start3A_56 = arith.constant 0 : i32
        %dma_start3A_57 = tpu.memref_slice %arg8[%dma_start3A_56] : memref<3968xf32, #tpu.memory_space<vmem>> -> memref<3968xf32, #tpu.memory_space<vmem>>
        %dma_start3A_58 = tpu.memref_slice %arg2[%mul3A_8] : memref<100000xf32, #tpu.memory_space<hbm>> -> memref<3968xf32, #tpu.memory_space<hbm>>
        tpu.enqueue_dma source(%dma_start3A_58 : memref<3968xf32, #tpu.memory_space<hbm>>) target(%dma_start3A_57 : memref<3968xf32, #tpu.memory_space<vmem>>) target_semaphore(%run_scoped3A : memref<!tpu.dma_semaphore, #tpu.memory_space<semaphore_mem>>)
        %dma_wait3A = arith.constant 0 : i32
        %dma_wait3A_59 = tpu.memref_slice %arg8[%dma_wait3A] : memref<3968xf32, #tpu.memory_space<vmem>> -> memref<3968xf32, #tpu.memory_space<vmem>>
        %dma_wait3A_60 = tpu.memref_slice %arg2[%mul3A_8] : memref<100000xf32, #tpu.memory_space<hbm>> -> memref<3968xf32, #tpu.memory_space<hbm>>
        %dma_wait3A_61 = arith.constant 0 : i32
        %dma_wait3A_62 = tpu.memref_slice %arg8[%dma_wait3A_61] : memref<3968xf32, #tpu.memory_space<vmem>> -> memref<3968xf32, #tpu.memory_space<vmem>>
        %dma_wait3A_63 = tpu.memref_slice %arg2[%mul3A_8] : memref<100000xf32, #tpu.memory_space<hbm>> -> memref<3968xf32, #tpu.memory_space<hbm>>
        tpu.wait_dma2 semaphore(%run_scoped3A : memref<!tpu.dma_semaphore, #tpu.memory_space<semaphore_mem>>) src(%dma_wait3A_63 : memref<3968xf32, #tpu.memory_space<hbm>>) dst(%dma_wait3A_62 : memref<3968xf32, #tpu.memory_space<vmem>>)
        tpu.yield
      }) : () -> ()
      %get3A = arith.constant 0 : i32
      %get3A_9 = arith.index_cast %get3A : i32 to index
      %get3A_10 = arith.constant 0 : index
      %get3A_11 = tpu.vector_load %arg7[%get3A_9, %get3A_10] {strides = array<i32>} : memref<4x16xf32, #tpu.memory_space<vmem>>, vector<1x16xf32>,
      %get3A_12 = vector.shape_cast %get3A_11 : vector<1x16xf32> to vector<16xf32>
      %get3A_13 = arith.constant 1 : i32
      %get3A_14 = arith.index_cast %get3A_13 : i32 to index
      %get3A_15 = arith.constant 0 : index
      %get3A_16 = tpu.vector_load %arg7[%get3A_14, %get3A_15] {strides = array<i32>} : memref<4x16xf32, #tpu.memory_space<vmem>>, vector<1x16xf32>,
      %get3A_17 = vector.shape_cast %get3A_16 : vector<1x16xf32> to vector<16xf32>
      %get3A_18 = arith.constant 2 : i32
      %get3A_19 = arith.index_cast %get3A_18 : i32 to index
      %get3A_20 = arith.constant 0 : index
      %get3A_21 = tpu.vector_load %arg7[%get3A_19, %get3A_20] {strides = array<i32>} : memref<4x16xf32, #tpu.memory_space<vmem>>, vector<1x16xf32>,
      %get3A_22 = vector.shape_cast %get3A_21 : vector<1x16xf32> to vector<16xf32>
      %get3A_23 = arith.constant 3 : i32
      %get3A_24 = arith.index_cast %get3A_23 : i32 to index
      %get3A_25 = arith.constant 0 : index
      %get3A_26 = tpu.vector_load %arg7[%get3A_24, %get3A_25] {strides = array<i32>} : memref<4x16xf32, #tpu.memory_space<vmem>>, vector<1x16xf32>,
      %get3A_27 = vector.shape_cast %get3A_26 : vector<1x16xf32> to vector<16xf32>
      %sub3A = arith.constant 9.99999997E-7 : f32
      %sub3A_28 = vector.broadcast %sub3A : f32 to vector<16xf32>
      %sub3A_29 = arith.subf %get3A_12, %sub3A_28 : vector<16xf32>
      %mul3A_30 = arith.mulf %get3A_17, %get3A_12 : vector<16xf32>
      %sub3A_31 = arith.subf %sub3A_29, %mul3A_30 : vector<16xf32>
      %neg3A = arith.constant 0.000000e+00 : f32
      %neg3A_32 = vector.broadcast %neg3A : f32 to vector<16xf32>
      %neg3A_33 = arith.subf %neg3A_32, %get3A_12 : vector<16xf32>
      %add3A_34 = arith.constant 9.99999997E-7 : f32
      %add3A_35 = vector.broadcast %add3A_34 : f32 to vector<16xf32>
      %add3A_36 = arith.addf %neg3A_33, %add3A_35 : vector<16xf32>
      %mul3A_37 = arith.mulf %get3A_17, %get3A_12 : vector<16xf32>
      %sub3A_38 = arith.subf %add3A_36, %mul3A_37 : vector<16xf32>
      %broadcast_in_dim3A = arith.constant 1.000000e+09 : f32
      %broadcast_in_dim3A_39 = vector.broadcast %broadcast_in_dim3A : f32 to vector<16xf32>
      %scan3A = arith.constant 0 : i32
      %scan3A_40 = arith.constant 248 : i32
      %scan3A_41 = arith.addi %scan3A, %scan3A_40 : i32
      %scan3A_42 = arith.constant 1 : i32
      scf.for %scan3A_54 = %scan3A to %scan3A_41 step %scan3A_42  : i32 {
        %mul3A_55 = arith.constant 16 : i32
        %mul3A_56 = arith.muli %scan3A_54, %mul3A_55 : i32
        %mul3A_57 = arith.mulf %get3A_17, %get3A_12 : vector<16xf32>
        %swap3A = arith.index_cast %mul3A_56 : i32 to index
        %swap3A_58 = tpu.vector_load %arg10[%swap3A] {strides = array<i32>} : memref<3968xf32, #tpu.memory_space<vmem>>, vector<16xf32>,
        %swap3A_59 = vector.shape_cast %swap3A_58 : vector<16xf32> to vector<16xf32>
        %swap3A_60 = vector.shape_cast %mul3A_57 : vector<16xf32> to vector<16xf32>
        tpu.vector_store %arg10[%swap3A], %swap3A_60 {strides = array<i32>} : memref<3968xf32, #tpu.memory_space<vmem>>, vector<16xf32>,
        %swap3A_61 = arith.index_cast %mul3A_56 : i32 to index
        %swap3A_62 = tpu.vector_load %arg11[%swap3A_61] {strides = array<i32>} : memref<3968xf32, #tpu.memory_space<vmem>>, vector<16xf32>,
        %swap3A_63 = vector.shape_cast %swap3A_62 : vector<16xf32> to vector<16xf32>
        %swap3A_64 = vector.shape_cast %broadcast_in_dim3A_39 : vector<16xf32> to vector<16xf32>
        tpu.vector_store %arg11[%swap3A_61], %swap3A_64 {strides = array<i32>} : memref<3968xf32, #tpu.memory_space<vmem>>, vector<16xf32>,
        %swap3A_65 = arith.index_cast %mul3A_56 : i32 to index
        %swap3A_66 = tpu.vector_load %arg12[%swap3A_65] {strides = array<i32>} : memref<3968xf32, #tpu.memory_space<vmem>>, vector<16xf32>,
        %swap3A_67 = vector.shape_cast %swap3A_66 : vector<16xf32> to vector<16xf32>
        %swap3A_68 = vector.shape_cast %broadcast_in_dim3A_39 : vector<16xf32> to vector<16xf32>
        tpu.vector_store %arg12[%swap3A_65], %swap3A_68 {strides = array<i32>} : memref<3968xf32, #tpu.memory_space<vmem>>, vector<16xf32>,
        %mul3A_69 = arith.constant 0.00999999977 : f32
        %mul3A_70 = vector.broadcast %mul3A_69 : f32 to vector<16xf32>
        %mul3A_71 = arith.mulf %get3A_27, %mul3A_70 : vector<16xf32>
        %get3A_72 = arith.index_cast %mul3A_56 : i32 to index
        %get3A_73 = tpu.vector_load %arg8[%get3A_72] {strides = array<i32>} : memref<3968xf32, #tpu.memory_space<vmem>>, vector<16xf32>,
        %get3A_74 = vector.shape_cast %get3A_73 : vector<16xf32> to vector<16xf32>
        %mul3A_75 = arith.mulf %mul3A_71, %get3A_74 : vector<16xf32>
        %swap3A_76 = arith.index_cast %mul3A_56 : i32 to index
        %swap3A_77 = tpu.vector_load %arg13[%swap3A_76] {strides = array<i32>} : memref<3968xf32, #tpu.memory_space<vmem>>, vector<16xf32>,
        %swap3A_78 = vector.shape_cast %swap3A_77 : vector<16xf32> to vector<16xf32>
        %swap3A_79 = vector.shape_cast %mul3A_75 : vector<16xf32> to vector<16xf32>
        tpu.vector_store %arg13[%swap3A_76], %swap3A_79 {strides = array<i32>} : memref<3968xf32, #tpu.memory_space<vmem>>, vector<16xf32>,
      }
      %scan3A_43 = arith.constant 248 : i32
      %scan3A_44 = arith.constant 0 : i32
      %scan3A_45 = arith.constant 25 : i32
      %scan3A_46 = arith.addi %scan3A_44, %scan3A_45 : i32
      %scan3A_47 = arith.constant 1 : i32
      scf.for %scan3A_54 = %scan3A_44 to %scan3A_46 step %scan3A_47  : i32 {
        %mul3A_55 = arith.constant 8 : i32
        %mul3A_56 = arith.muli %scan3A_54, %mul3A_55 : i32
        %add3A_57 = arith.constant 0 : i32
        %add3A_58 = arith.addi %mul3A_56, %add3A_57 : i32
        %mul3A_59 = arith.constant 100000 : i32
        %mul3A_60 = arith.muli %add3A_58, %mul3A_59 : i32
        %add3A_61 = arith.addi %mul3A_60, %mul3A_8 : i32
        "tpu.region"() ({
          %run_scoped3A = tpu.sem_alloc : memref<!tpu.dma_semaphore, #tpu.memory_space<semaphore_mem>>
          %dma_start3A = arith.constant 0 : i32
          %dma_start3A_121 = tpu.memref_slice %arg9[%dma_start3A] : memref<31744xf32, #tpu.memory_space<vmem>> -> memref<3968xf32, #tpu.memory_space<vmem>>
          %dma_start3A_122 = tpu.memref_slice %arg4[%add3A_61] : memref<20000000xf32, #tpu.memory_space<hbm>> -> memref<3968xf32, #tpu.memory_space<hbm>>
          %dma_start3A_123 = arith.constant 0 : i32
          %dma_start3A_124 = tpu.memref_slice %arg9[%dma_start3A_123] : memref<31744xf32, #tpu.memory_space<vmem>> -> memref<3968xf32, #tpu.memory_space<vmem>>
          %dma_start3A_125 = tpu.memref_slice %arg4[%add3A_61] : memref<20000000xf32, #tpu.memory_space<hbm>> -> memref<3968xf32, #tpu.memory_space<hbm>>
          tpu.enqueue_dma source(%dma_start3A_125 : memref<3968xf32, #tpu.memory_space<hbm>>) target(%dma_start3A_124 : memref<3968xf32, #tpu.memory_space<vmem>>) target_semaphore(%run_scoped3A : memref<!tpu.dma_semaphore, #tpu.memory_space<semaphore_mem>>)
          %dma_wait3A = arith.constant 0 : i32
          %dma_wait3A_126 = tpu.memref_slice %arg9[%dma_wait3A] : memref<31744xf32, #tpu.memory_space<vmem>> -> memref<3968xf32, #tpu.memory_space<vmem>>
          %dma_wait3A_127 = tpu.memref_slice %arg4[%add3A_61] : memref<20000000xf32, #tpu.memory_space<hbm>> -> memref<3968xf32, #tpu.memory_space<hbm>>
          %dma_wait3A_128 = arith.constant 0 : i32
          %dma_wait3A_129 = tpu.memref_slice %arg9[%dma_wait3A_128] : memref<31744xf32, #tpu.memory_space<vmem>> -> memref<3968xf32, #tpu.memory_space<vmem>>
          %dma_wait3A_130 = tpu.memref_slice %arg4[%add3A_61] : memref<20000000xf32, #tpu.memory_space<hbm>> -> memref<3968xf32, #tpu.memory_space<hbm>>
          tpu.wait_dma2 semaphore(%run_scoped3A : memref<!tpu.dma_semaphore, #tpu.memory_space<semaphore_mem>>) src(%dma_wait3A_130 : memref<3968xf32, #tpu.memory_space<hbm>>) dst(%dma_wait3A_129 : memref<3968xf32, #tpu.memory_space<vmem>>)
          tpu.yield
        }) : () -> ()
        %mul3A_62 = arith.constant 8 : i32
        %mul3A_63 = arith.muli %scan3A_54, %mul3A_62 : i32
        %add3A_64 = arith.constant 1 : i32
        %add3A_65 = arith.addi %mul3A_63, %add3A_64 : i32
        %mul3A_66 = arith.constant 100000 : i32
        %mul3A_67 = arith.muli %add3A_65, %mul3A_66 : i32
        %add3A_68 = arith.addi %mul3A_67, %mul3A_8 : i32
        "tpu.region"() ({
          %run_scoped3A = tpu.sem_alloc : memref<!tpu.dma_semaphore, #tpu.memory_space<semaphore_mem>>
          %dma_start3A = arith.constant 3968 : i32
          %dma_start3A_121 = tpu.memref_slice %arg9[%dma_start3A] : memref<31744xf32, #tpu.memory_space<vmem>> -> memref<3968xf32, #tpu.memory_space<vmem>>
          %dma_start3A_122 = tpu.memref_slice %arg4[%add3A_68] : memref<20000000xf32, #tpu.memory_space<hbm>> -> memref<3968xf32, #tpu.memory_space<hbm>>
          %dma_start3A_123 = arith.constant 3968 : i32
          %dma_start3A_124 = tpu.memref_slice %arg9[%dma_start3A_123] : memref<31744xf32, #tpu.memory_space<vmem>> -> memref<3968xf32, #tpu.memory_space<vmem>>
          %dma_start3A_125 = tpu.memref_slice %arg4[%add3A_68] : memref<20000000xf32, #tpu.memory_space<hbm>> -> memref<3968xf32, #tpu.memory_space<hbm>>
          tpu.enqueue_dma source(%dma_start3A_125 : memref<3968xf32, #tpu.memory_space<hbm>>) target(%dma_start3A_124 : memref<3968xf32, #tpu.memory_space<vmem>>) target_semaphore(%run_scoped3A : memref<!tpu.dma_semaphore, #tpu.memory_space<semaphore_mem>>)
          %dma_wait3A = arith.constant 3968 : i32
          %dma_wait3A_126 = tpu.memref_slice %arg9[%dma_wait3A] : memref<31744xf32, #tpu.memory_space<vmem>> -> memref<3968xf32, #tpu.memory_space<vmem>>
          %dma_wait3A_127 = tpu.memref_slice %arg4[%add3A_68] : memref<20000000xf32, #tpu.memory_space<hbm>> -> memref<3968xf32, #tpu.memory_space<hbm>>
          %dma_wait3A_128 = arith.constant 3968 : i32
          %dma_wait3A_129 = tpu.memref_slice %arg9[%dma_wait3A_128] : memref<31744xf32, #tpu.memory_space<vmem>> -> memref<3968xf32, #tpu.memory_space<vmem>>
          %dma_wait3A_130 = tpu.memref_slice %arg4[%add3A_68] : memref<20000000xf32, #tpu.memory_space<hbm>> -> memref<3968xf32, #tpu.memory_space<hbm>>
          tpu.wait_dma2 semaphore(%run_scoped3A : memref<!tpu.dma_semaphore, #tpu.memory_space<semaphore_mem>>) src(%dma_wait3A_130 : memref<3968xf32, #tpu.memory_space<hbm>>) dst(%dma_wait3A_129 : memref<3968xf32, #tpu.memory_space<vmem>>)
          tpu.yield
        }) : () -> ()
        %mul3A_69 = arith.constant 8 : i32
        %mul3A_70 = arith.muli %scan3A_54, %mul3A_69 : i32
        %add3A_71 = arith.constant 2 : i32
        %add3A_72 = arith.addi %mul3A_70, %add3A_71 : i32
        %mul3A_73 = arith.constant 100000 : i32
        %mul3A_74 = arith.muli %add3A_72, %mul3A_73 : i32
        %add3A_75 = arith.addi %mul3A_74, %mul3A_8 : i32
        "tpu.region"() ({
          %run_scoped3A = tpu.sem_alloc : memref<!tpu.dma_semaphore, #tpu.memory_space<semaphore_mem>>
          %dma_start3A = arith.constant 7936 : i32
          %dma_start3A_121 = tpu.memref_slice %arg9[%dma_start3A] : memref<31744xf32, #tpu.memory_space<vmem>> -> memref<3968xf32, #tpu.memory_space<vmem>>
          %dma_start3A_122 = tpu.memref_slice %arg4[%add3A_75] : memref<20000000xf32, #tpu.memory_space<hbm>> -> memref<3968xf32, #tpu.memory_space<hbm>>
          %dma_start3A_123 = arith.constant 7936 : i32
          %dma_start3A_124 = tpu.memref_slice %arg9[%dma_start3A_123] : memref<31744xf32, #tpu.memory_space<vmem>> -> memref<3968xf32, #tpu.memory_space<vmem>>
          %dma_start3A_125 = tpu.memref_slice %arg4[%add3A_75] : memref<20000000xf32, #tpu.memory_space<hbm>> -> memref<3968xf32, #tpu.memory_space<hbm>>
          tpu.enqueue_dma source(%dma_start3A_125 : memref<3968xf32, #tpu.memory_space<hbm>>) target(%dma_start3A_124 : memref<3968xf32, #tpu.memory_space<vmem>>) target_semaphore(%run_scoped3A : memref<!tpu.dma_semaphore, #tpu.memory_space<semaphore_mem>>)
          %dma_wait3A = arith.constant 7936 : i32
          %dma_wait3A_126 = tpu.memref_slice %arg9[%dma_wait3A] : memref<31744xf32, #tpu.memory_space<vmem>> -> memref<3968xf32, #tpu.memory_space<vmem>>
          %dma_wait3A_127 = tpu.memref_slice %arg4[%add3A_75] : memref<20000000xf32, #tpu.memory_space<hbm>> -> memref<3968xf32, #tpu.memory_space<hbm>>
          %dma_wait3A_128 = arith.constant 7936 : i32
          %dma_wait3A_129 = tpu.memref_slice %arg9[%dma_wait3A_128] : memref<31744xf32, #tpu.memory_space<vmem>> -> memref<3968xf32, #tpu.memory_space<vmem>>
          %dma_wait3A_130 = tpu.memref_slice %arg4[%add3A_75] : memref<20000000xf32, #tpu.memory_space<hbm>> -> memref<3968xf32, #tpu.memory_space<hbm>>
          tpu.wait_dma2 semaphore(%run_scoped3A : memref<!tpu.dma_semaphore, #tpu.memory_space<semaphore_mem>>) src(%dma_wait3A_130 : memref<3968xf32, #tpu.memory_space<hbm>>) dst(%dma_wait3A_129 : memref<3968xf32, #tpu.memory_space<vmem>>)
          tpu.yield
        }) : () -> ()
        %mul3A_76 = arith.constant 8 : i32
        %mul3A_77 = arith.muli %scan3A_54, %mul3A_76 : i32
        %add3A_78 = arith.constant 3 : i32
        %add3A_79 = arith.addi %mul3A_77, %add3A_78 : i32
        %mul3A_80 = arith.constant 100000 : i32
        %mul3A_81 = arith.muli %add3A_79, %mul3A_80 : i32
        %add3A_82 = arith.addi %mul3A_81, %mul3A_8 : i32
        "tpu.region"() ({
          %run_scoped3A = tpu.sem_alloc : memref<!tpu.dma_semaphore, #tpu.memory_space<semaphore_mem>>
          %dma_start3A = arith.constant 11904 : i32
          %dma_start3A_121 = tpu.memref_slice %arg9[%dma_start3A] : memref<31744xf32, #tpu.memory_space<vmem>> -> memref<3968xf32, #tpu.memory_space<vmem>>
          %dma_start3A_122 = tpu.memref_slice %arg4[%add3A_82] : memref<20000000xf32, #tpu.memory_space<hbm>> -> memref<3968xf32, #tpu.memory_space<hbm>>
          %dma_start3A_123 = arith.constant 11904 : i32
          %dma_start3A_124 = tpu.memref_slice %arg9[%dma_start3A_123] : memref<31744xf32, #tpu.memory_space<vmem>> -> memref<3968xf32, #tpu.memory_space<vmem>>
          %dma_start3A_125 = tpu.memref_slice %arg4[%add3A_82] : memref<20000000xf32, #tpu.memory_space<hbm>> -> memref<3968xf32, #tpu.memory_space<hbm>>
          tpu.enqueue_dma source(%dma_start3A_125 : memref<3968xf32, #tpu.memory_space<hbm>>) target(%dma_start3A_124 : memref<3968xf32, #tpu.memory_space<vmem>>) target_semaphore(%run_scoped3A : memref<!tpu.dma_semaphore, #tpu.memory_space<semaphore_mem>>)
          %dma_wait3A = arith.constant 11904 : i32
          %dma_wait3A_126 = tpu.memref_slice %arg9[%dma_wait3A] : memref<31744xf32, #tpu.memory_space<vmem>> -> memref<3968xf32, #tpu.memory_space<vmem>>
          %dma_wait3A_127 = tpu.memref_slice %arg4[%add3A_82] : memref<20000000xf32, #tpu.memory_space<hbm>> -> memref<3968xf32, #tpu.memory_space<hbm>>
          %dma_wait3A_128 = arith.constant 11904 : i32
          %dma_wait3A_129 = tpu.memref_slice %arg9[%dma_wait3A_128] : memref<31744xf32, #tpu.memory_space<vmem>> -> memref<3968xf32, #tpu.memory_space<vmem>>
          %dma_wait3A_130 = tpu.memref_slice %arg4[%add3A_82] : memref<20000000xf32, #tpu.memory_space<hbm>> -> memref<3968xf32, #tpu.memory_space<hbm>>
          tpu.wait_dma2 semaphore(%run_scoped3A : memref<!tpu.dma_semaphore, #tpu.memory_space<semaphore_mem>>) src(%dma_wait3A_130 : memref<3968xf32, #tpu.memory_space<hbm>>) dst(%dma_wait3A_129 : memref<3968xf32, #tpu.memory_space<vmem>>)
          tpu.yield
        }) : () -> ()
        %mul3A_83 = arith.constant 8 : i32
        %mul3A_84 = arith.muli %scan3A_54, %mul3A_83 : i32
        %add3A_85 = arith.constant 4 : i32
        %add3A_86 = arith.addi %mul3A_84, %add3A_85 : i32
        %mul3A_87 = arith.constant 100000 : i32
        %mul3A_88 = arith.muli %add3A_86, %mul3A_87 : i32
        %add3A_89 = arith.addi %mul3A_88, %mul3A_8 : i32
        "tpu.region"() ({
          %run_scoped3A = tpu.sem_alloc : memref<!tpu.dma_semaphore, #tpu.memory_space<semaphore_mem>>
          %dma_start3A = arith.constant 15872 : i32
          %dma_start3A_121 = tpu.memref_slice %arg9[%dma_start3A] : memref<31744xf32, #tpu.memory_space<vmem>> -> memref<3968xf32, #tpu.memory_space<vmem>>
          %dma_start3A_122 = tpu.memref_slice %arg4[%add3A_89] : memref<20000000xf32, #tpu.memory_space<hbm>> -> memref<3968xf32, #tpu.memory_space<hbm>>
          %dma_start3A_123 = arith.constant 15872 : i32
          %dma_start3A_124 = tpu.memref_slice %arg9[%dma_start3A_123] : memref<31744xf32, #tpu.memory_space<vmem>> -> memref<3968xf32, #tpu.memory_space<vmem>>
          %dma_start3A_125 = tpu.memref_slice %arg4[%add3A_89] : memref<20000000xf32, #tpu.memory_space<hbm>> -> memref<3968xf32, #tpu.memory_space<hbm>>
          tpu.enqueue_dma source(%dma_start3A_125 : memref<3968xf32, #tpu.memory_space<hbm>>) target(%dma_start3A_124 : memref<3968xf32, #tpu.memory_space<vmem>>) target_semaphore(%run_scoped3A : memref<!tpu.dma_semaphore, #tpu.memory_space<semaphore_mem>>)
          %dma_wait3A = arith.constant 15872 : i32
          %dma_wait3A_126 = tpu.memref_slice %arg9[%dma_wait3A] : memref<31744xf32, #tpu.memory_space<vmem>> -> memref<3968xf32, #tpu.memory_space<vmem>>
          %dma_wait3A_127 = tpu.memref_slice %arg4[%add3A_89] : memref<20000000xf32, #tpu.memory_space<hbm>> -> memref<3968xf32, #tpu.memory_space<hbm>>
          %dma_wait3A_128 = arith.constant 15872 : i32
          %dma_wait3A_129 = tpu.memref_slice %arg9[%dma_wait3A_128] : memref<31744xf32, #tpu.memory_space<vmem>> -> memref<3968xf32, #tpu.memory_space<vmem>>
          %dma_wait3A_130 = tpu.memref_slice %arg4[%add3A_89] : memref<20000000xf32, #tpu.memory_space<hbm>> -> memref<3968xf32, #tpu.memory_space<hbm>>
          tpu.wait_dma2 semaphore(%run_scoped3A : memref<!tpu.dma_semaphore, #tpu.memory_space<semaphore_mem>>) src(%dma_wait3A_130 : memref<3968xf32, #tpu.memory_space<hbm>>) dst(%dma_wait3A_129 : memref<3968xf32, #tpu.memory_space<vmem>>)
          tpu.yield
        }) : () -> ()
        %mul3A_90 = arith.constant 8 : i32
        %mul3A_91 = arith.muli %scan3A_54, %mul3A_90 : i32
        %add3A_92 = arith.constant 5 : i32
        %add3A_93 = arith.addi %mul3A_91, %add3A_92 : i32
        %mul3A_94 = arith.constant 100000 : i32
        %mul3A_95 = arith.muli %add3A_93, %mul3A_94 : i32
        %add3A_96 = arith.addi %mul3A_95, %mul3A_8 : i32
        "tpu.region"() ({
          %run_scoped3A = tpu.sem_alloc : memref<!tpu.dma_semaphore, #tpu.memory_space<semaphore_mem>>
          %dma_start3A = arith.constant 19840 : i32
          %dma_start3A_121 = tpu.memref_slice %arg9[%dma_start3A] : memref<31744xf32, #tpu.memory_space<vmem>> -> memref<3968xf32, #tpu.memory_space<vmem>>
          %dma_start3A_122 = tpu.memref_slice %arg4[%add3A_96] : memref<20000000xf32, #tpu.memory_space<hbm>> -> memref<3968xf32, #tpu.memory_space<hbm>>
          %dma_start3A_123 = arith.constant 19840 : i32
          %dma_start3A_124 = tpu.memref_slice %arg9[%dma_start3A_123] : memref<31744xf32, #tpu.memory_space<vmem>> -> memref<3968xf32, #tpu.memory_space<vmem>>
          %dma_start3A_125 = tpu.memref_slice %arg4[%add3A_96] : memref<20000000xf32, #tpu.memory_space<hbm>> -> memref<3968xf32, #tpu.memory_space<hbm>>
          tpu.enqueue_dma source(%dma_start3A_125 : memref<3968xf32, #tpu.memory_space<hbm>>) target(%dma_start3A_124 : memref<3968xf32, #tpu.memory_space<vmem>>) target_semaphore(%run_scoped3A : memref<!tpu.dma_semaphore, #tpu.memory_space<semaphore_mem>>)
          %dma_wait3A = arith.constant 19840 : i32
          %dma_wait3A_126 = tpu.memref_slice %arg9[%dma_wait3A] : memref<31744xf32, #tpu.memory_space<vmem>> -> memref<3968xf32, #tpu.memory_space<vmem>>
          %dma_wait3A_127 = tpu.memref_slice %arg4[%add3A_96] : memref<20000000xf32, #tpu.memory_space<hbm>> -> memref<3968xf32, #tpu.memory_space<hbm>>
          %dma_wait3A_128 = arith.constant 19840 : i32
          %dma_wait3A_129 = tpu.memref_slice %arg9[%dma_wait3A_128] : memref<31744xf32, #tpu.memory_space<vmem>> -> memref<3968xf32, #tpu.memory_space<vmem>>
          %dma_wait3A_130 = tpu.memref_slice %arg4[%add3A_96] : memref<20000000xf32, #tpu.memory_space<hbm>> -> memref<3968xf32, #tpu.memory_space<hbm>>
          tpu.wait_dma2 semaphore(%run_scoped3A : memref<!tpu.dma_semaphore, #tpu.memory_space<semaphore_mem>>) src(%dma_wait3A_130 : memref<3968xf32, #tpu.memory_space<hbm>>) dst(%dma_wait3A_129 : memref<3968xf32, #tpu.memory_space<vmem>>)
          tpu.yield
        }) : () -> ()
        %mul3A_97 = arith.constant 8 : i32
        %mul3A_98 = arith.muli %scan3A_54, %mul3A_97 : i32
        %add3A_99 = arith.constant 6 : i32
        %add3A_100 = arith.addi %mul3A_98, %add3A_99 : i32
        %mul3A_101 = arith.constant 100000 : i32
        %mul3A_102 = arith.muli %add3A_100, %mul3A_101 : i32
        %add3A_103 = arith.addi %mul3A_102, %mul3A_8 : i32
        "tpu.region"() ({
          %run_scoped3A = tpu.sem_alloc : memref<!tpu.dma_semaphore, #tpu.memory_space<semaphore_mem>>
          %dma_start3A = arith.constant 23808 : i32
          %dma_start3A_121 = tpu.memref_slice %arg9[%dma_start3A] : memref<31744xf32, #tpu.memory_space<vmem>> -> memref<3968xf32, #tpu.memory_space<vmem>>
          %dma_start3A_122 = tpu.memref_slice %arg4[%add3A_103] : memref<20000000xf32, #tpu.memory_space<hbm>> -> memref<3968xf32, #tpu.memory_space<hbm>>
          %dma_start3A_123 = arith.constant 23808 : i32
          %dma_start3A_124 = tpu.memref_slice %arg9[%dma_start3A_123] : memref<31744xf32, #tpu.memory_space<vmem>> -> memref<3968xf32, #tpu.memory_space<vmem>>
          %dma_start3A_125 = tpu.memref_slice %arg4[%add3A_103] : memref<20000000xf32, #tpu.memory_space<hbm>> -> memref<3968xf32, #tpu.memory_space<hbm>>
          tpu.enqueue_dma source(%dma_start3A_125 : memref<3968xf32, #tpu.memory_space<hbm>>) target(%dma_start3A_124 : memref<3968xf32, #tpu.memory_space<vmem>>) target_semaphore(%run_scoped3A : memref<!tpu.dma_semaphore, #tpu.memory_space<semaphore_mem>>)
          %dma_wait3A = arith.constant 23808 : i32
          %dma_wait3A_126 = tpu.memref_slice %arg9[%dma_wait3A] : memref<31744xf32, #tpu.memory_space<vmem>> -> memref<3968xf32, #tpu.memory_space<vmem>>
          %dma_wait3A_127 = tpu.memref_slice %arg4[%add3A_103] : memref<20000000xf32, #tpu.memory_space<hbm>> -> memref<3968xf32, #tpu.memory_space<hbm>>
          %dma_wait3A_128 = arith.constant 23808 : i32
          %dma_wait3A_129 = tpu.memref_slice %arg9[%dma_wait3A_128] : memref<31744xf32, #tpu.memory_space<vmem>> -> memref<3968xf32, #tpu.memory_space<vmem>>
          %dma_wait3A_130 = tpu.memref_slice %arg4[%add3A_103] : memref<20000000xf32, #tpu.memory_space<hbm>> -> memref<3968xf32, #tpu.memory_space<hbm>>
          tpu.wait_dma2 semaphore(%run_scoped3A : memref<!tpu.dma_semaphore, #tpu.memory_space<semaphore_mem>>) src(%dma_wait3A_130 : memref<3968xf32, #tpu.memory_space<hbm>>) dst(%dma_wait3A_129 : memref<3968xf32, #tpu.memory_space<vmem>>)
          tpu.yield
        }) : () -> ()
        %mul3A_104 = arith.constant 8 : i32
        %mul3A_105 = arith.muli %scan3A_54, %mul3A_104 : i32
        %add3A_106 = arith.constant 7 : i32
        %add3A_107 = arith.addi %mul3A_105, %add3A_106 : i32
        %mul3A_108 = arith.constant 100000 : i32
        %mul3A_109 = arith.muli %add3A_107, %mul3A_108 : i32
        %add3A_110 = arith.addi %mul3A_109, %mul3A_8 : i32
        "tpu.region"() ({
          %run_scoped3A = tpu.sem_alloc : memref<!tpu.dma_semaphore, #tpu.memory_space<semaphore_mem>>
          %dma_start3A = arith.constant 27776 : i32
          %dma_start3A_121 = tpu.memref_slice %arg9[%dma_start3A] : memref<31744xf32, #tpu.memory_space<vmem>> -> memref<3968xf32, #tpu.memory_space<vmem>>
          %dma_start3A_122 = tpu.memref_slice %arg4[%add3A_110] : memref<20000000xf32, #tpu.memory_space<hbm>> -> memref<3968xf32, #tpu.memory_space<hbm>>
          %dma_start3A_123 = arith.constant 27776 : i32
          %dma_start3A_124 = tpu.memref_slice %arg9[%dma_start3A_123] : memref<31744xf32, #tpu.memory_space<vmem>> -> memref<3968xf32, #tpu.memory_space<vmem>>
          %dma_start3A_125 = tpu.memref_slice %arg4[%add3A_110] : memref<20000000xf32, #tpu.memory_space<hbm>> -> memref<3968xf32, #tpu.memory_space<hbm>>
          tpu.enqueue_dma source(%dma_start3A_125 : memref<3968xf32, #tpu.memory_space<hbm>>) target(%dma_start3A_124 : memref<3968xf32, #tpu.memory_space<vmem>>) target_semaphore(%run_scoped3A : memref<!tpu.dma_semaphore, #tpu.memory_space<semaphore_mem>>)
          %dma_wait3A = arith.constant 27776 : i32
          %dma_wait3A_126 = tpu.memref_slice %arg9[%dma_wait3A] : memref<31744xf32, #tpu.memory_space<vmem>> -> memref<3968xf32, #tpu.memory_space<vmem>>
          %dma_wait3A_127 = tpu.memref_slice %arg4[%add3A_110] : memref<20000000xf32, #tpu.memory_space<hbm>> -> memref<3968xf32, #tpu.memory_space<hbm>>
          %dma_wait3A_128 = arith.constant 27776 : i32
          %dma_wait3A_129 = tpu.memref_slice %arg9[%dma_wait3A_128] : memref<31744xf32, #tpu.memory_space<vmem>> -> memref<3968xf32, #tpu.memory_space<vmem>>
          %dma_wait3A_130 = tpu.memref_slice %arg4[%add3A_110] : memref<20000000xf32, #tpu.memory_space<hbm>> -> memref<3968xf32, #tpu.memory_space<hbm>>
          tpu.wait_dma2 semaphore(%run_scoped3A : memref<!tpu.dma_semaphore, #tpu.memory_space<semaphore_mem>>) src(%dma_wait3A_130 : memref<3968xf32, #tpu.memory_space<hbm>>) dst(%dma_wait3A_129 : memref<3968xf32, #tpu.memory_space<vmem>>)
          tpu.yield
        }) : () -> ()
        %broadcast_in_dim3A_111 = arith.constant 8.000000e+00 : f32
        %broadcast_in_dim3A_112 = vector.broadcast %broadcast_in_dim3A_111 : f32 to vector<16xf32>
        %convert_element_type3A_113 = arith.sitofp %scan3A_54 : i32 to f32
        %mul3A_114 = vector.broadcast %convert_element_type3A_113 : f32 to vector<16xf32>
        %mul3A_115 = arith.mulf %broadcast_in_dim3A_112, %mul3A_114 : vector<16xf32>
        %scan3A_116 = arith.constant 0 : i32
        %scan3A_117 = arith.constant 248 : i32
        %scan3A_118 = arith.addi %scan3A_116, %scan3A_117 : i32
        %scan3A_119 = arith.constant 1 : i32
        scf.for %scan3A_121 = %scan3A_116 to %scan3A_118 step %scan3A_119  : i32 {
          %mul3A_122 = arith.constant 16 : i32
          %mul3A_123 = arith.muli %scan3A_121, %mul3A_122 : i32
          %get3A_124 = arith.index_cast %mul3A_123 : i32 to index
          %get3A_125 = tpu.vector_load %arg13[%get3A_124] {strides = array<i32>} : memref<3968xf32, #tpu.memory_space<vmem>>, vector<16xf32>,
          %get3A_126 = vector.shape_cast %get3A_125 : vector<16xf32> to vector<16xf32>
          %get3A_127 = arith.index_cast %mul3A_123 : i32 to index
          %get3A_128 = tpu.vector_load %arg10[%get3A_127] {strides = array<i32>} : memref<3968xf32, #tpu.memory_space<vmem>>, vector<16xf32>,
          %get3A_129 = vector.shape_cast %get3A_128 : vector<16xf32> to vector<16xf32>
          %get3A_130 = arith.index_cast %mul3A_123 : i32 to index
          %get3A_131 = tpu.vector_load %arg11[%get3A_130] {strides = array<i32>} : memref<3968xf32, #tpu.memory_space<vmem>>, vector<16xf32>,
          %get3A_132 = vector.shape_cast %get3A_131 : vector<16xf32> to vector<16xf32>
          %get3A_133 = arith.index_cast %mul3A_123 : i32 to index
          %get3A_134 = tpu.vector_load %arg12[%get3A_133] {strides = array<i32>} : memref<3968xf32, #tpu.memory_space<vmem>>, vector<16xf32>,
          %get3A_135 = vector.shape_cast %get3A_134 : vector<16xf32> to vector<16xf32>
          %mul3A_136 = arith.constant 16 : i32
          %mul3A_137 = arith.muli %scan3A_121, %mul3A_136 : i32
          %add3A_138 = arith.constant 0 : i32
          %add3A_139 = arith.addi %add3A_138, %mul3A_137 : i32
          %get3A_140 = arith.index_cast %add3A_139 : i32 to index
          %get3A_141 = tpu.vector_load %arg9[%get3A_140] {strides = array<i32>} : memref<31744xf32, #tpu.memory_space<vmem>>, vector<16xf32>,
          %get3A_142 = vector.shape_cast %get3A_141 : vector<16xf32> to vector<16xf32>
          %add3A_143 = arith.addf %get3A_129, %get3A_126 : vector<16xf32>
          %add3A_144 = arith.addf %add3A_143, %get3A_142 : vector<16xf32>
          %add3A_145 = arith.constant 0.000000e+00 : f32
          %add3A_146 = vector.broadcast %add3A_145 : f32 to vector<16xf32>
          %add3A_147 = arith.addf %mul3A_115, %add3A_146 : vector<16xf32>
          %ge3A = arith.cmpf oge, %add3A_144, %sub3A_31 : vector<16xf32>
          %select_n3A = arith.select %ge3A, %add3A_147, %broadcast_in_dim3A_39 : vector<16xi1>, vector<16xf32>
          %min3A = arith.minimumf %get3A_132, %select_n3A : vector<16xf32>
          %le3A = arith.cmpf ole, %add3A_144, %sub3A_38 : vector<16xf32>
          %select_n3A_148 = arith.select %le3A, %add3A_147, %broadcast_in_dim3A_39 : vector<16xi1>, vector<16xf32>
          %min3A_149 = arith.minimumf %get3A_135, %select_n3A_148 : vector<16xf32>
          %mul3A_150 = arith.constant 16 : i32
          %mul3A_151 = arith.muli %scan3A_121, %mul3A_150 : i32
          %add3A_152 = arith.constant 3968 : i32
          %add3A_153 = arith.addi %add3A_152, %mul3A_151 : i32
          %get3A_154 = arith.index_cast %add3A_153 : i32 to index
          %get3A_155 = tpu.vector_load %arg9[%get3A_154] {strides = array<i32>} : memref<31744xf32, #tpu.memory_space<vmem>>, vector<16xf32>,
          %get3A_156 = vector.shape_cast %get3A_155 : vector<16xf32> to vector<16xf32>
          %add3A_157 = arith.addf %add3A_144, %get3A_126 : vector<16xf32>
          %add3A_158 = arith.addf %add3A_157, %get3A_156 : vector<16xf32>
          %add3A_159 = arith.constant 1.000000e+00 : f32
          %add3A_160 = vector.broadcast %add3A_159 : f32 to vector<16xf32>
          %add3A_161 = arith.addf %mul3A_115, %add3A_160 : vector<16xf32>
          %ge3A_162 = arith.cmpf oge, %add3A_158, %sub3A_31 : vector<16xf32>
          %select_n3A_163 = arith.select %ge3A_162, %add3A_161, %broadcast_in_dim3A_39 : vector<16xi1>, vector<16xf32>
          %min3A_164 = arith.minimumf %min3A, %select_n3A_163 : vector<16xf32>
          %le3A_165 = arith.cmpf ole, %add3A_158, %sub3A_38 : vector<16xf32>
          %select_n3A_166 = arith.select %le3A_165, %add3A_161, %broadcast_in_dim3A_39 : vector<16xi1>, vector<16xf32>
          %min3A_167 = arith.minimumf %min3A_149, %select_n3A_166 : vector<16xf32>
          %mul3A_168 = arith.constant 16 : i32
          %mul3A_169 = arith.muli %scan3A_121, %mul3A_168 : i32
          %add3A_170 = arith.constant 7936 : i32
          %add3A_171 = arith.addi %add3A_170, %mul3A_169 : i32
          %get3A_172 = arith.index_cast %add3A_171 : i32 to index
          %get3A_173 = tpu.vector_load %arg9[%get3A_172] {strides = array<i32>} : memref<31744xf32, #tpu.memory_space<vmem>>, vector<16xf32>,
          %get3A_174 = vector.shape_cast %get3A_173 : vector<16xf32> to vector<16xf32>
          %add3A_175 = arith.addf %add3A_158, %get3A_126 : vector<16xf32>
          %add3A_176 = arith.addf %add3A_175, %get3A_174 : vector<16xf32>
          %add3A_177 = arith.constant 2.000000e+00 : f32
          %add3A_178 = vector.broadcast %add3A_177 : f32 to vector<16xf32>
          %add3A_179 = arith.addf %mul3A_115, %add3A_178 : vector<16xf32>
          %ge3A_180 = arith.cmpf oge, %add3A_176, %sub3A_31 : vector<16xf32>
          %select_n3A_181 = arith.select %ge3A_180, %add3A_179, %broadcast_in_dim3A_39 : vector<16xi1>, vector<16xf32>
          %min3A_182 = arith.minimumf %min3A_164, %select_n3A_181 : vector<16xf32>
          %le3A_183 = arith.cmpf ole, %add3A_176, %sub3A_38 : vector<16xf32>
          %select_n3A_184 = arith.select %le3A_183, %add3A_179, %broadcast_in_dim3A_39 : vector<16xi1>, vector<16xf32>
          %min3A_185 = arith.minimumf %min3A_167, %select_n3A_184 : vector<16xf32>
          %mul3A_186 = arith.constant 16 : i32
          %mul3A_187 = arith.muli %scan3A_121, %mul3A_186 : i32
          %add3A_188 = arith.constant 11904 : i32
          %add3A_189 = arith.addi %add3A_188, %mul3A_187 : i32
          %get3A_190 = arith.index_cast %add3A_189 : i32 to index
          %get3A_191 = tpu.vector_load %arg9[%get3A_190] {strides = array<i32>} : memref<31744xf32, #tpu.memory_space<vmem>>, vector<16xf32>,
          %get3A_192 = vector.shape_cast %get3A_191 : vector<16xf32> to vector<16xf32>
          %add3A_193 = arith.addf %add3A_176, %get3A_126 : vector<16xf32>
          %add3A_194 = arith.addf %add3A_193, %get3A_192 : vector<16xf32>
          %add3A_195 = arith.constant 3.000000e+00 : f32
          %add3A_196 = vector.broadcast %add3A_195 : f32 to vector<16xf32>
          %add3A_197 = arith.addf %mul3A_115, %add3A_196 : vector<16xf32>
          %ge3A_198 = arith.cmpf oge, %add3A_194, %sub3A_31 : vector<16xf32>
          %select_n3A_199 = arith.select %ge3A_198, %add3A_197, %broadcast_in_dim3A_39 : vector<16xi1>, vector<16xf32>
          %min3A_200 = arith.minimumf %min3A_182, %select_n3A_199 : vector<16xf32>
          %le3A_201 = arith.cmpf ole, %add3A_194, %sub3A_38 : vector<16xf32>
          %select_n3A_202 = arith.select %le3A_201, %add3A_197, %broadcast_in_dim3A_39 : vector<16xi1>, vector<16xf32>
          %min3A_203 = arith.minimumf %min3A_185, %select_n3A_202 : vector<16xf32>
          %mul3A_204 = arith.constant 16 : i32
          %mul3A_205 = arith.muli %scan3A_121, %mul3A_204 : i32
          %add3A_206 = arith.constant 15872 : i32
          %add3A_207 = arith.addi %add3A_206, %mul3A_205 : i32
          %get3A_208 = arith.index_cast %add3A_207 : i32 to index
          %get3A_209 = tpu.vector_load %arg9[%get3A_208] {strides = array<i32>} : memref<31744xf32, #tpu.memory_space<vmem>>, vector<16xf32>,
          %get3A_210 = vector.shape_cast %get3A_209 : vector<16xf32> to vector<16xf32>
          %add3A_211 = arith.addf %add3A_194, %get3A_126 : vector<16xf32>
          %add3A_212 = arith.addf %add3A_211, %get3A_210 : vector<16xf32>
          %add3A_213 = arith.constant 4.000000e+00 : f32
          %add3A_214 = vector.broadcast %add3A_213 : f32 to vector<16xf32>
          %add3A_215 = arith.addf %mul3A_115, %add3A_214 : vector<16xf32>
          %ge3A_216 = arith.cmpf oge, %add3A_212, %sub3A_31 : vector<16xf32>
          %select_n3A_217 = arith.select %ge3A_216, %add3A_215, %broadcast_in_dim3A_39 : vector<16xi1>, vector<16xf32>
          %min3A_218 = arith.minimumf %min3A_200, %select_n3A_217 : vector<16xf32>
          %le3A_219 = arith.cmpf ole, %add3A_212, %sub3A_38 : vector<16xf32>
          %select_n3A_220 = arith.select %le3A_219, %add3A_215, %broadcast_in_dim3A_39 : vector<16xi1>, vector<16xf32>
          %min3A_221 = arith.minimumf %min3A_203, %select_n3A_220 : vector<16xf32>
          %mul3A_222 = arith.constant 16 : i32
          %mul3A_223 = arith.muli %scan3A_121, %mul3A_222 : i32
          %add3A_224 = arith.constant 19840 : i32
          %add3A_225 = arith.addi %add3A_224, %mul3A_223 : i32
          %get3A_226 = arith.index_cast %add3A_225 : i32 to index
          %get3A_227 = tpu.vector_load %arg9[%get3A_226] {strides = array<i32>} : memref<31744xf32, #tpu.memory_space<vmem>>, vector<16xf32>,
          %get3A_228 = vector.shape_cast %get3A_227 : vector<16xf32> to vector<16xf32>
          %add3A_229 = arith.addf %add3A_212, %get3A_126 : vector<16xf32>
          %add3A_230 = arith.addf %add3A_229, %get3A_228 : vector<16xf32>
          %add3A_231 = arith.constant 5.000000e+00 : f32
          %add3A_232 = vector.broadcast %add3A_231 : f32 to vector<16xf32>
          %add3A_233 = arith.addf %mul3A_115, %add3A_232 : vector<16xf32>
          %ge3A_234 = arith.cmpf oge, %add3A_230, %sub3A_31 : vector<16xf32>
          %select_n3A_235 = arith.select %ge3A_234, %add3A_233, %broadcast_in_dim3A_39 : vector<16xi1>, vector<16xf32>
          %min3A_236 = arith.minimumf %min3A_218, %select_n3A_235 : vector<16xf32>
          %le3A_237 = arith.cmpf ole, %add3A_230, %sub3A_38 : vector<16xf32>
          %select_n3A_238 = arith.select %le3A_237, %add3A_233, %broadcast_in_dim3A_39 : vector<16xi1>, vector<16xf32>
          %min3A_239 = arith.minimumf %min3A_221, %select_n3A_238 : vector<16xf32>
          %mul3A_240 = arith.constant 16 : i32
          %mul3A_241 = arith.muli %scan3A_121, %mul3A_240 : i32
          %add3A_242 = arith.constant 23808 : i32
          %add3A_243 = arith.addi %add3A_242, %mul3A_241 : i32
          %get3A_244 = arith.index_cast %add3A_243 : i32 to index
          %get3A_245 = tpu.vector_load %arg9[%get3A_244] {strides = array<i32>} : memref<31744xf32, #tpu.memory_space<vmem>>, vector<16xf32>,
          %get3A_246 = vector.shape_cast %get3A_245 : vector<16xf32> to vector<16xf32>
          %add3A_247 = arith.addf %add3A_230, %get3A_126 : vector<16xf32>
          %add3A_248 = arith.addf %add3A_247, %get3A_246 : vector<16xf32>
          %add3A_249 = arith.constant 6.000000e+00 : f32
          %add3A_250 = vector.broadcast %add3A_249 : f32 to vector<16xf32>
          %add3A_251 = arith.addf %mul3A_115, %add3A_250 : vector<16xf32>
          %ge3A_252 = arith.cmpf oge, %add3A_248, %sub3A_31 : vector<16xf32>
          %select_n3A_253 = arith.select %ge3A_252, %add3A_251, %broadcast_in_dim3A_39 : vector<16xi1>, vector<16xf32>
          %min3A_254 = arith.minimumf %min3A_236, %select_n3A_253 : vector<16xf32>
          %le3A_255 = arith.cmpf ole, %add3A_248, %sub3A_38 : vector<16xf32>
          %select_n3A_256 = arith.select %le3A_255, %add3A_251, %broadcast_in_dim3A_39 : vector<16xi1>, vector<16xf32>
          %min3A_257 = arith.minimumf %min3A_239, %select_n3A_256 : vector<16xf32>
          %mul3A_258 = arith.constant 16 : i32
          %mul3A_259 = arith.muli %scan3A_121, %mul3A_258 : i32
          %add3A_260 = arith.constant 27776 : i32
          %add3A_261 = arith.addi %add3A_260, %mul3A_259 : i32
          %get3A_262 = arith.index_cast %add3A_261 : i32 to index
          %get3A_263 = tpu.vector_load %arg9[%get3A_262] {strides = array<i32>} : memref<31744xf32, #tpu.memory_space<vmem>>, vector<16xf32>,
          %get3A_264 = vector.shape_cast %get3A_263 : vector<16xf32> to vector<16xf32>
          %add3A_265 = arith.addf %add3A_248, %get3A_126 : vector<16xf32>
          %add3A_266 = arith.addf %add3A_265, %get3A_264 : vector<16xf32>
          %add3A_267 = arith.constant 7.000000e+00 : f32
          %add3A_268 = vector.broadcast %add3A_267 : f32 to vector<16xf32>
          %add3A_269 = arith.addf %mul3A_115, %add3A_268 : vector<16xf32>
          %ge3A_270 = arith.cmpf oge, %add3A_266, %sub3A_31 : vector<16xf32>
          %select_n3A_271 = arith.select %ge3A_270, %add3A_269, %broadcast_in_dim3A_39 : vector<16xi1>, vector<16xf32>
          %min3A_272 = arith.minimumf %min3A_254, %select_n3A_271 : vector<16xf32>
          %le3A_273 = arith.cmpf ole, %add3A_266, %sub3A_38 : vector<16xf32>
          %select_n3A_274 = arith.select %le3A_273, %add3A_269, %broadcast_in_dim3A_39 : vector<16xi1>, vector<16xf32>
          %min3A_275 = arith.minimumf %min3A_257, %select_n3A_274 : vector<16xf32>
          %swap3A = arith.index_cast %mul3A_123 : i32 to index
          %swap3A_276 = tpu.vector_load %arg10[%swap3A] {strides = array<i32>} : memref<3968xf32, #tpu.memory_space<vmem>>, vector<16xf32>,
          %swap3A_277 = vector.shape_cast %swap3A_276 : vector<16xf32> to vector<16xf32>
          %swap3A_278 = vector.shape_cast %add3A_266 : vector<16xf32> to vector<16xf32>
          tpu.vector_store %arg10[%swap3A], %swap3A_278 {strides = array<i32>} : memref<3968xf32, #tpu.memory_space<vmem>>, vector<16xf32>,
          %swap3A_279 = arith.index_cast %mul3A_123 : i32 to index
          %swap3A_280 = tpu.vector_load %arg11[%swap3A_279] {strides = array<i32>} : memref<3968xf32, #tpu.memory_space<vmem>>, vector<16xf32>,
          %swap3A_281 = vector.shape_cast %swap3A_280 : vector<16xf32> to vector<16xf32>
          %swap3A_282 = vector.shape_cast %min3A_272 : vector<16xf32> to vector<16xf32>
          tpu.vector_store %arg11[%swap3A_279], %swap3A_282 {strides = array<i32>} : memref<3968xf32, #tpu.memory_space<vmem>>, vector<16xf32>,
          %swap3A_283 = arith.index_cast %mul3A_123 : i32 to index
          %swap3A_284 = tpu.vector_load %arg12[%swap3A_283] {strides = array<i32>} : memref<3968xf32, #tpu.memory_space<vmem>>, vector<16xf32>,
          %swap3A_285 = vector.shape_cast %swap3A_284 : vector<16xf32> to vector<16xf32>
          %swap3A_286 = vector.shape_cast %min3A_275 : vector<16xf32> to vector<16xf32>
          tpu.vector_store %arg12[%swap3A_283], %swap3A_286 {strides = array<i32>} : memref<3968xf32, #tpu.memory_space<vmem>>, vector<16xf32>,
        }
        %scan3A_120 = arith.constant 248 : i32
      }
      %scan3A_48 = arith.constant 25 : i32
      %scan3A_49 = arith.constant 0 : i32
      %scan3A_50 = arith.constant 248 : i32
      %scan3A_51 = arith.addi %scan3A_49, %scan3A_50 : i32
      %scan3A_52 = arith.constant 1 : i32
      scf.for %scan3A_54 = %scan3A_49 to %scan3A_51 step %scan3A_52  : i32 {
        %mul3A_55 = arith.constant 16 : i32
        %mul3A_56 = arith.muli %scan3A_54, %mul3A_55 : i32
        %get3A_57 = arith.index_cast %mul3A_56 : i32 to index
        %get3A_58 = tpu.vector_load %arg11[%get3A_57] {strides = array<i32>} : memref<3968xf32, #tpu.memory_space<vmem>>, vector<16xf32>,
        %get3A_59 = vector.shape_cast %get3A_58 : vector<16xf32> to vector<16xf32>
        %get3A_60 = arith.index_cast %mul3A_56 : i32 to index
        %get3A_61 = tpu.vector_load %arg12[%get3A_60] {strides = array<i32>} : memref<3968xf32, #tpu.memory_space<vmem>>, vector<16xf32>,
        %get3A_62 = vector.shape_cast %get3A_61 : vector<16xf32> to vector<16xf32>
        %min3A = arith.minimumf %get3A_59, %get3A_62 : vector<16xf32>
        %lt3A_63 = arith.cmpf olt, %min3A, %broadcast_in_dim3A_39 : vector<16xf32>
        %mul3A_64 = arith.constant 0.00999999977 : f32
        %mul3A_65 = vector.broadcast %mul3A_64 : f32 to vector<16xf32>
        %mul3A_66 = arith.mulf %min3A, %mul3A_65 : vector<16xf32>
        %add3A_67 = arith.addf %mul3A_66, %get3A_22 : vector<16xf32>
        %add3A_68 = arith.constant 2.000000e+00 : f32
        %add3A_69 = vector.broadcast %add3A_68 : f32 to vector<16xf32>
        %add3A_70 = arith.addf %add3A_69, %get3A_22 : vector<16xf32>
        %select_n3A = arith.select %lt3A_63, %add3A_67, %add3A_70 : vector<16xi1>, vector<16xf32>
        %swap3A = arith.index_cast %mul3A_56 : i32 to index
        %swap3A_71 = tpu.vector_load %arg14[%swap3A] {strides = array<i32>} : memref<3968xf32, #tpu.memory_space<vmem>>, vector<16xf32>,
        %swap3A_72 = vector.shape_cast %swap3A_71 : vector<16xf32> to vector<16xf32>
        %swap3A_73 = vector.shape_cast %select_n3A : vector<16xf32> to vector<16xf32>
        tpu.vector_store %arg14[%swap3A], %swap3A_73 {strides = array<i32>} : memref<3968xf32, #tpu.memory_space<vmem>>, vector<16xf32>,
        %le3A = arith.cmpf ole, %get3A_59, %get3A_62 : vector<16xf32>
        %jit3A = arith.constant 1.000000e+00 : f32
        %jit3A_74 = arith.constant 0.000000e+00 : f32
        %broadcast_in_dim3A_75 = vector.broadcast %jit3A : f32 to vector<16xf32>
        %broadcast_in_dim3A_76 = vector.broadcast %jit3A_74 : f32 to vector<16xf32>
        %select_n3A_77 = arith.select %le3A, %broadcast_in_dim3A_75, %broadcast_in_dim3A_76 : vector<16xi1>, vector<16xf32>
        %jit3A_78 = arith.constant 5.000000e-01 : f32
        %broadcast_in_dim3A_79 = vector.broadcast %jit3A_78 : f32 to vector<16xf32>
        %select_n3A_80 = arith.select %lt3A_63, %select_n3A_77, %broadcast_in_dim3A_79 : vector<16xi1>, vector<16xf32>
        %swap3A_81 = arith.index_cast %mul3A_56 : i32 to index
        %swap3A_82 = tpu.vector_load %arg15[%swap3A_81] {strides = array<i32>} : memref<3968xf32, #tpu.memory_space<vmem>>, vector<16xf32>,
        %swap3A_83 = vector.shape_cast %swap3A_82 : vector<16xf32> to vector<16xf32>
        %swap3A_84 = vector.shape_cast %select_n3A_80 : vector<16xf32> to vector<16xf32>
        tpu.vector_store %arg15[%swap3A_81], %swap3A_84 {strides = array<i32>} : memref<3968xf32, #tpu.memory_space<vmem>>, vector<16xf32>,
      }
      %scan3A_53 = arith.constant 248 : i32
      "tpu.region"() ({
        %run_scoped3A = tpu.sem_alloc : memref<!tpu.dma_semaphore, #tpu.memory_space<semaphore_mem>>
        %dma_start3A = arith.constant 0 : i32
        %dma_start3A_54 = tpu.memref_slice %arg14[%dma_start3A] : memref<3968xf32, #tpu.memory_space<vmem>> -> memref<3968xf32, #tpu.memory_space<vmem>>
        %dma_start3A_55 = tpu.memref_slice %arg5[%mul3A_8] : memref<100000xf32, #tpu.memory_space<hbm>> -> memref<3968xf32, #tpu.memory_space<hbm>>
        %dma_start3A_56 = tpu.memref_slice %arg5[%mul3A_8] : memref<100000xf32, #tpu.memory_space<hbm>> -> memref<3968xf32, #tpu.memory_space<hbm>>
        %dma_start3A_57 = arith.constant 0 : i32
        %dma_start3A_58 = tpu.memref_slice %arg14[%dma_start3A_57] : memref<3968xf32, #tpu.memory_space<vmem>> -> memref<3968xf32, #tpu.memory_space<vmem>>
        tpu.enqueue_dma source(%dma_start3A_58 : memref<3968xf32, #tpu.memory_space<vmem>>) target(%dma_start3A_56 : memref<3968xf32, #tpu.memory_space<hbm>>) target_semaphore(%run_scoped3A : memref<!tpu.dma_semaphore, #tpu.memory_space<semaphore_mem>>)
        %dma_wait3A = arith.constant 0 : i32
        %dma_wait3A_59 = tpu.memref_slice %arg14[%dma_wait3A] : memref<3968xf32, #tpu.memory_space<vmem>> -> memref<3968xf32, #tpu.memory_space<vmem>>
        %dma_wait3A_60 = tpu.memref_slice %arg5[%mul3A_8] : memref<100000xf32, #tpu.memory_space<hbm>> -> memref<3968xf32, #tpu.memory_space<hbm>>
        %dma_wait3A_61 = tpu.memref_slice %arg5[%mul3A_8] : memref<100000xf32, #tpu.memory_space<hbm>> -> memref<3968xf32, #tpu.memory_space<hbm>>
        %dma_wait3A_62 = arith.constant 0 : i32
        %dma_wait3A_63 = tpu.memref_slice %arg14[%dma_wait3A_62] : memref<3968xf32, #tpu.memory_space<vmem>> -> memref<3968xf32, #tpu.memory_space<vmem>>
        tpu.wait_dma2 semaphore(%run_scoped3A : memref<!tpu.dma_semaphore, #tpu.memory_space<semaphore_mem>>) src(%dma_wait3A_63 : memref<3968xf32, #tpu.memory_space<vmem>>) dst(%dma_wait3A_61 : memref<3968xf32, #tpu.memory_space<hbm>>)
        tpu.yield
      }) : () -> ()
      "tpu.region"() ({
        %run_scoped3A = tpu.sem_alloc : memref<!tpu.dma_semaphore, #tpu.memory_space<semaphore_mem>>
        %dma_start3A = arith.constant 0 : i32
        %dma_start3A_54 = tpu.memref_slice %arg15[%dma_start3A] : memref<3968xf32, #tpu.memory_space<vmem>> -> memref<3968xf32, #tpu.memory_space<vmem>>
        %dma_start3A_55 = tpu.memref_slice %arg6[%mul3A_8] : memref<100000xf32, #tpu.memory_space<hbm>> -> memref<3968xf32, #tpu.memory_space<hbm>>
        %dma_start3A_56 = tpu.memref_slice %arg6[%mul3A_8] : memref<100000xf32, #tpu.memory_space<hbm>> -> memref<3968xf32, #tpu.memory_space<hbm>>
        %dma_start3A_57 = arith.constant 0 : i32
        %dma_start3A_58 = tpu.memref_slice %arg15[%dma_start3A_57] : memref<3968xf32, #tpu.memory_space<vmem>> -> memref<3968xf32, #tpu.memory_space<vmem>>
        tpu.enqueue_dma source(%dma_start3A_58 : memref<3968xf32, #tpu.memory_space<vmem>>) target(%dma_start3A_56 : memref<3968xf32, #tpu.memory_space<hbm>>) target_semaphore(%run_scoped3A : memref<!tpu.dma_semaphore, #tpu.memory_space<semaphore_mem>>)
        %dma_wait3A = arith.constant 0 : i32
        %dma_wait3A_59 = tpu.memref_slice %arg15[%dma_wait3A] : memref<3968xf32, #tpu.memory_space<vmem>> -> memref<3968xf32, #tpu.memory_space<vmem>>
        %dma_wait3A_60 = tpu.memref_slice %arg6[%mul3A_8] : memref<100000xf32, #tpu.memory_space<hbm>> -> memref<3968xf32, #tpu.memory_space<hbm>>
        %dma_wait3A_61 = tpu.memref_slice %arg6[%mul3A_8] : memref<100000xf32, #tpu.memory_space<hbm>> -> memref<3968xf32, #tpu.memory_space<hbm>>
        %dma_wait3A_62 = arith.constant 0 : i32
        %dma_wait3A_63 = tpu.memref_slice %arg15[%dma_wait3A_62] : memref<3968xf32, #tpu.memory_space<vmem>> -> memref<3968xf32, #tpu.memory_space<vmem>>
        tpu.wait_dma2 semaphore(%run_scoped3A : memref<!tpu.dma_semaphore, #tpu.memory_space<semaphore_mem>>) src(%dma_wait3A_63 : memref<3968xf32, #tpu.memory_space<vmem>>) dst(%dma_wait3A_61 : memref<3968xf32, #tpu.memory_space<hbm>>)
        tpu.yield
      }) : () -> ()
    } else {
    }
    %eq3A = arith.constant 25 : i32
    %eq3A_3 = arith.cmpi eq, %add3A, %eq3A : i32
    %convert_element_type3A_4 = arith.extui %eq3A_3 : i1 to i32
    %cond3A_5 = arith.constant 0 : i32
    %cond3A_6 = arith.cmpi ne, %convert_element_type3A_4, %cond3A_5 : i32
    scf.if %cond3A_6 {
      "tpu.region"() ({
        %run_scoped3A = tpu.sem_alloc : memref<!tpu.dma_semaphore, #tpu.memory_space<semaphore_mem>>
        tpu.enqueue_dma source(%arg3 : memref<4x16xf32, #tpu.memory_space<hbm>>) target(%arg7 : memref<4x16xf32, #tpu.memory_space<vmem>>) target_semaphore(%run_scoped3A : memref<!tpu.dma_semaphore, #tpu.memory_space<semaphore_mem>>)
        tpu.wait_dma2 semaphore(%run_scoped3A : memref<!tpu.dma_semaphore, #tpu.memory_space<semaphore_mem>>) src(%arg3 : memref<4x16xf32, #tpu.memory_space<hbm>>) dst(%arg7 : memref<4x16xf32, #tpu.memory_space<vmem>>)
        tpu.yield
      }) : () -> ()
      "tpu.region"() ({
        %run_scoped3A = tpu.sem_alloc : memref<!tpu.dma_semaphore, #tpu.memory_space<semaphore_mem>>
        %dma_start3A = arith.constant 0 : i32
        %dma_start3A_52 = tpu.memref_slice %arg8[%dma_start3A] : memref<3968xf32, #tpu.memory_space<vmem>> -> memref<800xf32, #tpu.memory_space<vmem>>
        %dma_start3A_53 = arith.constant 99200 : i32
        %dma_start3A_54 = tpu.memref_slice %arg2[%dma_start3A_53] : memref<100000xf32, #tpu.memory_space<hbm>> -> memref<800xf32, #tpu.memory_space<hbm>>
        %dma_start3A_55 = arith.constant 0 : i32
        %dma_start3A_56 = tpu.memref_slice %arg8[%dma_start3A_55] : memref<3968xf32, #tpu.memory_space<vmem>> -> memref<800xf32, #tpu.memory_space<vmem>>
        %dma_start3A_57 = arith.constant 99200 : i32
        %dma_start3A_58 = tpu.memref_slice %arg2[%dma_start3A_57] : memref<100000xf32, #tpu.memory_space<hbm>> -> memref<800xf32, #tpu.memory_space<hbm>>
        tpu.enqueue_dma source(%dma_start3A_58 : memref<800xf32, #tpu.memory_space<hbm>>) target(%dma_start3A_56 : memref<800xf32, #tpu.memory_space<vmem>>) target_semaphore(%run_scoped3A : memref<!tpu.dma_semaphore, #tpu.memory_space<semaphore_mem>>)
        %dma_wait3A = arith.constant 0 : i32
        %dma_wait3A_59 = tpu.memref_slice %arg8[%dma_wait3A] : memref<3968xf32, #tpu.memory_space<vmem>> -> memref<800xf32, #tpu.memory_space<vmem>>
        %dma_wait3A_60 = arith.constant 99200 : i32
        %dma_wait3A_61 = tpu.memref_slice %arg2[%dma_wait3A_60] : memref<100000xf32, #tpu.memory_space<hbm>> -> memref<800xf32, #tpu.memory_space<hbm>>
        %dma_wait3A_62 = arith.constant 0 : i32
        %dma_wait3A_63 = tpu.memref_slice %arg8[%dma_wait3A_62] : memref<3968xf32, #tpu.memory_space<vmem>> -> memref<800xf32, #tpu.memory_space<vmem>>
        %dma_wait3A_64 = arith.constant 99200 : i32
        %dma_wait3A_65 = tpu.memref_slice %arg2[%dma_wait3A_64] : memref<100000xf32, #tpu.memory_space<hbm>> -> memref<800xf32, #tpu.memory_space<hbm>>
        tpu.wait_dma2 semaphore(%run_scoped3A : memref<!tpu.dma_semaphore, #tpu.memory_space<semaphore_mem>>) src(%dma_wait3A_65 : memref<800xf32, #tpu.memory_space<hbm>>) dst(%dma_wait3A_63 : memref<800xf32, #tpu.memory_space<vmem>>)
        tpu.yield
      }) : () -> ()
      %get3A = arith.constant 0 : i32
      %get3A_7 = arith.index_cast %get3A : i32 to index
      %get3A_8 = arith.constant 0 : index
      %get3A_9 = tpu.vector_load %arg7[%get3A_7, %get3A_8] {strides = array<i32>} : memref<4x16xf32, #tpu.memory_space<vmem>>, vector<1x16xf32>,
      %get3A_10 = vector.shape_cast %get3A_9 : vector<1x16xf32> to vector<16xf32>
      %get3A_11 = arith.constant 1 : i32
      %get3A_12 = arith.index_cast %get3A_11 : i32 to index
      %get3A_13 = arith.constant 0 : index
      %get3A_14 = tpu.vector_load %arg7[%get3A_12, %get3A_13] {strides = array<i32>} : memref<4x16xf32, #tpu.memory_space<vmem>>, vector<1x16xf32>,
      %get3A_15 = vector.shape_cast %get3A_14 : vector<1x16xf32> to vector<16xf32>
      %get3A_16 = arith.constant 2 : i32
      %get3A_17 = arith.index_cast %get3A_16 : i32 to index
      %get3A_18 = arith.constant 0 : index
      %get3A_19 = tpu.vector_load %arg7[%get3A_17, %get3A_18] {strides = array<i32>} : memref<4x16xf32, #tpu.memory_space<vmem>>, vector<1x16xf32>,
      %get3A_20 = vector.shape_cast %get3A_19 : vector<1x16xf32> to vector<16xf32>
      %get3A_21 = arith.constant 3 : i32
      %get3A_22 = arith.index_cast %get3A_21 : i32 to index
      %get3A_23 = arith.constant 0 : index
      %get3A_24 = tpu.vector_load %arg7[%get3A_22, %get3A_23] {strides = array<i32>} : memref<4x16xf32, #tpu.memory_space<vmem>>, vector<1x16xf32>,
      %get3A_25 = vector.shape_cast %get3A_24 : vector<1x16xf32> to vector<16xf32>
      %sub3A = arith.constant 9.99999997E-7 : f32
      %sub3A_26 = vector.broadcast %sub3A : f32 to vector<16xf32>
      %sub3A_27 = arith.subf %get3A_10, %sub3A_26 : vector<16xf32>
      %mul3A_28 = arith.mulf %get3A_15, %get3A_10 : vector<16xf32>
      %sub3A_29 = arith.subf %sub3A_27, %mul3A_28 : vector<16xf32>
      %neg3A = arith.constant 0.000000e+00 : f32
      %neg3A_30 = vector.broadcast %neg3A : f32 to vector<16xf32>
      %neg3A_31 = arith.subf %neg3A_30, %get3A_10 : vector<16xf32>
      %add3A_32 = arith.constant 9.99999997E-7 : f32
      %add3A_33 = vector.broadcast %add3A_32 : f32 to vector<16xf32>
      %add3A_34 = arith.addf %neg3A_31, %add3A_33 : vector<16xf32>
      %mul3A_35 = arith.mulf %get3A_15, %get3A_10 : vector<16xf32>
      %sub3A_36 = arith.subf %add3A_34, %mul3A_35 : vector<16xf32>
      %broadcast_in_dim3A = arith.constant 1.000000e+09 : f32
      %broadcast_in_dim3A_37 = vector.broadcast %broadcast_in_dim3A : f32 to vector<16xf32>
      %scan3A = arith.constant 0 : i32
      %scan3A_38 = arith.constant 50 : i32
      %scan3A_39 = arith.addi %scan3A, %scan3A_38 : i32
      %scan3A_40 = arith.constant 1 : i32
      scf.for %scan3A_52 = %scan3A to %scan3A_39 step %scan3A_40  : i32 {
        %mul3A_53 = arith.constant 16 : i32
        %mul3A_54 = arith.muli %scan3A_52, %mul3A_53 : i32
        %mul3A_55 = arith.mulf %get3A_15, %get3A_10 : vector<16xf32>
        %swap3A = arith.index_cast %mul3A_54 : i32 to index
        %swap3A_56 = tpu.vector_load %arg10[%swap3A] {strides = array<i32>} : memref<3968xf32, #tpu.memory_space<vmem>>, vector<16xf32>,
        %swap3A_57 = vector.shape_cast %swap3A_56 : vector<16xf32> to vector<16xf32>
        %swap3A_58 = vector.shape_cast %mul3A_55 : vector<16xf32> to vector<16xf32>
        tpu.vector_store %arg10[%swap3A], %swap3A_58 {strides = array<i32>} : memref<3968xf32, #tpu.memory_space<vmem>>, vector<16xf32>,
        %swap3A_59 = arith.index_cast %mul3A_54 : i32 to index
        %swap3A_60 = tpu.vector_load %arg11[%swap3A_59] {strides = array<i32>} : memref<3968xf32, #tpu.memory_space<vmem>>, vector<16xf32>,
        %swap3A_61 = vector.shape_cast %swap3A_60 : vector<16xf32> to vector<16xf32>
        %swap3A_62 = vector.shape_cast %broadcast_in_dim3A_37 : vector<16xf32> to vector<16xf32>
        tpu.vector_store %arg11[%swap3A_59], %swap3A_62 {strides = array<i32>} : memref<3968xf32, #tpu.memory_space<vmem>>, vector<16xf32>,
        %swap3A_63 = arith.index_cast %mul3A_54 : i32 to index
        %swap3A_64 = tpu.vector_load %arg12[%swap3A_63] {strides = array<i32>} : memref<3968xf32, #tpu.memory_space<vmem>>, vector<16xf32>,
        %swap3A_65 = vector.shape_cast %swap3A_64 : vector<16xf32> to vector<16xf32>
        %swap3A_66 = vector.shape_cast %broadcast_in_dim3A_37 : vector<16xf32> to vector<16xf32>
        tpu.vector_store %arg12[%swap3A_63], %swap3A_66 {strides = array<i32>} : memref<3968xf32, #tpu.memory_space<vmem>>, vector<16xf32>,
        %mul3A_67 = arith.constant 0.00999999977 : f32
        %mul3A_68 = vector.broadcast %mul3A_67 : f32 to vector<16xf32>
        %mul3A_69 = arith.mulf %get3A_25, %mul3A_68 : vector<16xf32>
        %get3A_70 = arith.index_cast %mul3A_54 : i32 to index
        %get3A_71 = tpu.vector_load %arg8[%get3A_70] {strides = array<i32>} : memref<3968xf32, #tpu.memory_space<vmem>>, vector<16xf32>,
        %get3A_72 = vector.shape_cast %get3A_71 : vector<16xf32> to vector<16xf32>
        %mul3A_73 = arith.mulf %mul3A_69, %get3A_72 : vector<16xf32>
        %swap3A_74 = arith.index_cast %mul3A_54 : i32 to index
        %swap3A_75 = tpu.vector_load %arg13[%swap3A_74] {strides = array<i32>} : memref<3968xf32, #tpu.memory_space<vmem>>, vector<16xf32>,
        %swap3A_76 = vector.shape_cast %swap3A_75 : vector<16xf32> to vector<16xf32>
        %swap3A_77 = vector.shape_cast %mul3A_73 : vector<16xf32> to vector<16xf32>
        tpu.vector_store %arg13[%swap3A_74], %swap3A_77 {strides = array<i32>} : memref<3968xf32, #tpu.memory_space<vmem>>, vector<16xf32>,
      }
      %scan3A_41 = arith.constant 50 : i32
      %scan3A_42 = arith.constant 0 : i32
      %scan3A_43 = arith.constant 25 : i32
      %scan3A_44 = arith.addi %scan3A_42, %scan3A_43 : i32
      %scan3A_45 = arith.constant 1 : i32
      scf.for %scan3A_52 = %scan3A_42 to %scan3A_44 step %scan3A_45  : i32 {
        %mul3A_53 = arith.constant 8 : i32
        %mul3A_54 = arith.muli %scan3A_52, %mul3A_53 : i32
        %add3A_55 = arith.constant 0 : i32
        %add3A_56 = arith.addi %mul3A_54, %add3A_55 : i32
        %mul3A_57 = arith.constant 100000 : i32
        %mul3A_58 = arith.muli %add3A_56, %mul3A_57 : i32
        %add3A_59 = arith.constant 99200 : i32
        %add3A_60 = arith.addi %mul3A_58, %add3A_59 : i32
        "tpu.region"() ({
          %run_scoped3A = tpu.sem_alloc : memref<!tpu.dma_semaphore, #tpu.memory_space<semaphore_mem>>
          %dma_start3A = arith.constant 0 : i32
          %dma_start3A_127 = tpu.memref_slice %arg9[%dma_start3A] : memref<31744xf32, #tpu.memory_space<vmem>> -> memref<800xf32, #tpu.memory_space<vmem>>
          %dma_start3A_128 = tpu.memref_slice %arg4[%add3A_60] : memref<20000000xf32, #tpu.memory_space<hbm>> -> memref<800xf32, #tpu.memory_space<hbm>>
          %dma_start3A_129 = arith.constant 0 : i32
          %dma_start3A_130 = tpu.memref_slice %arg9[%dma_start3A_129] : memref<31744xf32, #tpu.memory_space<vmem>> -> memref<800xf32, #tpu.memory_space<vmem>>
          %dma_start3A_131 = tpu.memref_slice %arg4[%add3A_60] : memref<20000000xf32, #tpu.memory_space<hbm>> -> memref<800xf32, #tpu.memory_space<hbm>>
          tpu.enqueue_dma source(%dma_start3A_131 : memref<800xf32, #tpu.memory_space<hbm>>) target(%dma_start3A_130 : memref<800xf32, #tpu.memory_space<vmem>>) target_semaphore(%run_scoped3A : memref<!tpu.dma_semaphore, #tpu.memory_space<semaphore_mem>>)
          %dma_wait3A = arith.constant 0 : i32
          %dma_wait3A_132 = tpu.memref_slice %arg9[%dma_wait3A] : memref<31744xf32, #tpu.memory_space<vmem>> -> memref<800xf32, #tpu.memory_space<vmem>>
          %dma_wait3A_133 = tpu.memref_slice %arg4[%add3A_60] : memref<20000000xf32, #tpu.memory_space<hbm>> -> memref<800xf32, #tpu.memory_space<hbm>>
          %dma_wait3A_134 = arith.constant 0 : i32
          %dma_wait3A_135 = tpu.memref_slice %arg9[%dma_wait3A_134] : memref<31744xf32, #tpu.memory_space<vmem>> -> memref<800xf32, #tpu.memory_space<vmem>>
          %dma_wait3A_136 = tpu.memref_slice %arg4[%add3A_60] : memref<20000000xf32, #tpu.memory_space<hbm>> -> memref<800xf32, #tpu.memory_space<hbm>>
          tpu.wait_dma2 semaphore(%run_scoped3A : memref<!tpu.dma_semaphore, #tpu.memory_space<semaphore_mem>>) src(%dma_wait3A_136 : memref<800xf32, #tpu.memory_space<hbm>>) dst(%dma_wait3A_135 : memref<800xf32, #tpu.memory_space<vmem>>)
          tpu.yield
        }) : () -> ()
        %mul3A_61 = arith.constant 8 : i32
        %mul3A_62 = arith.muli %scan3A_52, %mul3A_61 : i32
        %add3A_63 = arith.constant 1 : i32
        %add3A_64 = arith.addi %mul3A_62, %add3A_63 : i32
        %mul3A_65 = arith.constant 100000 : i32
        %mul3A_66 = arith.muli %add3A_64, %mul3A_65 : i32
        %add3A_67 = arith.constant 99200 : i32
        %add3A_68 = arith.addi %mul3A_66, %add3A_67 : i32
        "tpu.region"() ({
          %run_scoped3A = tpu.sem_alloc : memref<!tpu.dma_semaphore, #tpu.memory_space<semaphore_mem>>
          %dma_start3A = arith.constant 3968 : i32
          %dma_start3A_127 = tpu.memref_slice %arg9[%dma_start3A] : memref<31744xf32, #tpu.memory_space<vmem>> -> memref<800xf32, #tpu.memory_space<vmem>>
          %dma_start3A_128 = tpu.memref_slice %arg4[%add3A_68] : memref<20000000xf32, #tpu.memory_space<hbm>> -> memref<800xf32, #tpu.memory_space<hbm>>
          %dma_start3A_129 = arith.constant 3968 : i32
          %dma_start3A_130 = tpu.memref_slice %arg9[%dma_start3A_129] : memref<31744xf32, #tpu.memory_space<vmem>> -> memref<800xf32, #tpu.memory_space<vmem>>
          %dma_start3A_131 = tpu.memref_slice %arg4[%add3A_68] : memref<20000000xf32, #tpu.memory_space<hbm>> -> memref<800xf32, #tpu.memory_space<hbm>>
          tpu.enqueue_dma source(%dma_start3A_131 : memref<800xf32, #tpu.memory_space<hbm>>) target(%dma_start3A_130 : memref<800xf32, #tpu.memory_space<vmem>>) target_semaphore(%run_scoped3A : memref<!tpu.dma_semaphore, #tpu.memory_space<semaphore_mem>>)
          %dma_wait3A = arith.constant 3968 : i32
          %dma_wait3A_132 = tpu.memref_slice %arg9[%dma_wait3A] : memref<31744xf32, #tpu.memory_space<vmem>> -> memref<800xf32, #tpu.memory_space<vmem>>
          %dma_wait3A_133 = tpu.memref_slice %arg4[%add3A_68] : memref<20000000xf32, #tpu.memory_space<hbm>> -> memref<800xf32, #tpu.memory_space<hbm>>
          %dma_wait3A_134 = arith.constant 3968 : i32
          %dma_wait3A_135 = tpu.memref_slice %arg9[%dma_wait3A_134] : memref<31744xf32, #tpu.memory_space<vmem>> -> memref<800xf32, #tpu.memory_space<vmem>>
          %dma_wait3A_136 = tpu.memref_slice %arg4[%add3A_68] : memref<20000000xf32, #tpu.memory_space<hbm>> -> memref<800xf32, #tpu.memory_space<hbm>>
          tpu.wait_dma2 semaphore(%run_scoped3A : memref<!tpu.dma_semaphore, #tpu.memory_space<semaphore_mem>>) src(%dma_wait3A_136 : memref<800xf32, #tpu.memory_space<hbm>>) dst(%dma_wait3A_135 : memref<800xf32, #tpu.memory_space<vmem>>)
          tpu.yield
        }) : () -> ()
        %mul3A_69 = arith.constant 8 : i32
        %mul3A_70 = arith.muli %scan3A_52, %mul3A_69 : i32
        %add3A_71 = arith.constant 2 : i32
        %add3A_72 = arith.addi %mul3A_70, %add3A_71 : i32
        %mul3A_73 = arith.constant 100000 : i32
        %mul3A_74 = arith.muli %add3A_72, %mul3A_73 : i32
        %add3A_75 = arith.constant 99200 : i32
        %add3A_76 = arith.addi %mul3A_74, %add3A_75 : i32
        "tpu.region"() ({
          %run_scoped3A = tpu.sem_alloc : memref<!tpu.dma_semaphore, #tpu.memory_space<semaphore_mem>>
          %dma_start3A = arith.constant 7936 : i32
          %dma_start3A_127 = tpu.memref_slice %arg9[%dma_start3A] : memref<31744xf32, #tpu.memory_space<vmem>> -> memref<800xf32, #tpu.memory_space<vmem>>
          %dma_start3A_128 = tpu.memref_slice %arg4[%add3A_76] : memref<20000000xf32, #tpu.memory_space<hbm>> -> memref<800xf32, #tpu.memory_space<hbm>>
          %dma_start3A_129 = arith.constant 7936 : i32
          %dma_start3A_130 = tpu.memref_slice %arg9[%dma_start3A_129] : memref<31744xf32, #tpu.memory_space<vmem>> -> memref<800xf32, #tpu.memory_space<vmem>>
          %dma_start3A_131 = tpu.memref_slice %arg4[%add3A_76] : memref<20000000xf32, #tpu.memory_space<hbm>> -> memref<800xf32, #tpu.memory_space<hbm>>
          tpu.enqueue_dma source(%dma_start3A_131 : memref<800xf32, #tpu.memory_space<hbm>>) target(%dma_start3A_130 : memref<800xf32, #tpu.memory_space<vmem>>) target_semaphore(%run_scoped3A : memref<!tpu.dma_semaphore, #tpu.memory_space<semaphore_mem>>)
          %dma_wait3A = arith.constant 7936 : i32
          %dma_wait3A_132 = tpu.memref_slice %arg9[%dma_wait3A] : memref<31744xf32, #tpu.memory_space<vmem>> -> memref<800xf32, #tpu.memory_space<vmem>>
          %dma_wait3A_133 = tpu.memref_slice %arg4[%add3A_76] : memref<20000000xf32, #tpu.memory_space<hbm>> -> memref<800xf32, #tpu.memory_space<hbm>>
          %dma_wait3A_134 = arith.constant 7936 : i32
          %dma_wait3A_135 = tpu.memref_slice %arg9[%dma_wait3A_134] : memref<31744xf32, #tpu.memory_space<vmem>> -> memref<800xf32, #tpu.memory_space<vmem>>
          %dma_wait3A_136 = tpu.memref_slice %arg4[%add3A_76] : memref<20000000xf32, #tpu.memory_space<hbm>> -> memref<800xf32, #tpu.memory_space<hbm>>
          tpu.wait_dma2 semaphore(%run_scoped3A : memref<!tpu.dma_semaphore, #tpu.memory_space<semaphore_mem>>) src(%dma_wait3A_136 : memref<800xf32, #tpu.memory_space<hbm>>) dst(%dma_wait3A_135 : memref<800xf32, #tpu.memory_space<vmem>>)
          tpu.yield
        }) : () -> ()
        %mul3A_77 = arith.constant 8 : i32
        %mul3A_78 = arith.muli %scan3A_52, %mul3A_77 : i32
        %add3A_79 = arith.constant 3 : i32
        %add3A_80 = arith.addi %mul3A_78, %add3A_79 : i32
        %mul3A_81 = arith.constant 100000 : i32
        %mul3A_82 = arith.muli %add3A_80, %mul3A_81 : i32
        %add3A_83 = arith.constant 99200 : i32
        %add3A_84 = arith.addi %mul3A_82, %add3A_83 : i32
        "tpu.region"() ({
          %run_scoped3A = tpu.sem_alloc : memref<!tpu.dma_semaphore, #tpu.memory_space<semaphore_mem>>
          %dma_start3A = arith.constant 11904 : i32
          %dma_start3A_127 = tpu.memref_slice %arg9[%dma_start3A] : memref<31744xf32, #tpu.memory_space<vmem>> -> memref<800xf32, #tpu.memory_space<vmem>>
          %dma_start3A_128 = tpu.memref_slice %arg4[%add3A_84] : memref<20000000xf32, #tpu.memory_space<hbm>> -> memref<800xf32, #tpu.memory_space<hbm>>
          %dma_start3A_129 = arith.constant 11904 : i32
          %dma_start3A_130 = tpu.memref_slice %arg9[%dma_start3A_129] : memref<31744xf32, #tpu.memory_space<vmem>> -> memref<800xf32, #tpu.memory_space<vmem>>
          %dma_start3A_131 = tpu.memref_slice %arg4[%add3A_84] : memref<20000000xf32, #tpu.memory_space<hbm>> -> memref<800xf32, #tpu.memory_space<hbm>>
          tpu.enqueue_dma source(%dma_start3A_131 : memref<800xf32, #tpu.memory_space<hbm>>) target(%dma_start3A_130 : memref<800xf32, #tpu.memory_space<vmem>>) target_semaphore(%run_scoped3A : memref<!tpu.dma_semaphore, #tpu.memory_space<semaphore_mem>>)
          %dma_wait3A = arith.constant 11904 : i32
          %dma_wait3A_132 = tpu.memref_slice %arg9[%dma_wait3A] : memref<31744xf32, #tpu.memory_space<vmem>> -> memref<800xf32, #tpu.memory_space<vmem>>
          %dma_wait3A_133 = tpu.memref_slice %arg4[%add3A_84] : memref<20000000xf32, #tpu.memory_space<hbm>> -> memref<800xf32, #tpu.memory_space<hbm>>
          %dma_wait3A_134 = arith.constant 11904 : i32
          %dma_wait3A_135 = tpu.memref_slice %arg9[%dma_wait3A_134] : memref<31744xf32, #tpu.memory_space<vmem>> -> memref<800xf32, #tpu.memory_space<vmem>>
          %dma_wait3A_136 = tpu.memref_slice %arg4[%add3A_84] : memref<20000000xf32, #tpu.memory_space<hbm>> -> memref<800xf32, #tpu.memory_space<hbm>>
          tpu.wait_dma2 semaphore(%run_scoped3A : memref<!tpu.dma_semaphore, #tpu.memory_space<semaphore_mem>>) src(%dma_wait3A_136 : memref<800xf32, #tpu.memory_space<hbm>>) dst(%dma_wait3A_135 : memref<800xf32, #tpu.memory_space<vmem>>)
          tpu.yield
        }) : () -> ()
        %mul3A_85 = arith.constant 8 : i32
        %mul3A_86 = arith.muli %scan3A_52, %mul3A_85 : i32
        %add3A_87 = arith.constant 4 : i32
        %add3A_88 = arith.addi %mul3A_86, %add3A_87 : i32
        %mul3A_89 = arith.constant 100000 : i32
        %mul3A_90 = arith.muli %add3A_88, %mul3A_89 : i32
        %add3A_91 = arith.constant 99200 : i32
        %add3A_92 = arith.addi %mul3A_90, %add3A_91 : i32
        "tpu.region"() ({
          %run_scoped3A = tpu.sem_alloc : memref<!tpu.dma_semaphore, #tpu.memory_space<semaphore_mem>>
          %dma_start3A = arith.constant 15872 : i32
          %dma_start3A_127 = tpu.memref_slice %arg9[%dma_start3A] : memref<31744xf32, #tpu.memory_space<vmem>> -> memref<800xf32, #tpu.memory_space<vmem>>
          %dma_start3A_128 = tpu.memref_slice %arg4[%add3A_92] : memref<20000000xf32, #tpu.memory_space<hbm>> -> memref<800xf32, #tpu.memory_space<hbm>>
          %dma_start3A_129 = arith.constant 15872 : i32
          %dma_start3A_130 = tpu.memref_slice %arg9[%dma_start3A_129] : memref<31744xf32, #tpu.memory_space<vmem>> -> memref<800xf32, #tpu.memory_space<vmem>>
          %dma_start3A_131 = tpu.memref_slice %arg4[%add3A_92] : memref<20000000xf32, #tpu.memory_space<hbm>> -> memref<800xf32, #tpu.memory_space<hbm>>
          tpu.enqueue_dma source(%dma_start3A_131 : memref<800xf32, #tpu.memory_space<hbm>>) target(%dma_start3A_130 : memref<800xf32, #tpu.memory_space<vmem>>) target_semaphore(%run_scoped3A : memref<!tpu.dma_semaphore, #tpu.memory_space<semaphore_mem>>)
          %dma_wait3A = arith.constant 15872 : i32
          %dma_wait3A_132 = tpu.memref_slice %arg9[%dma_wait3A] : memref<31744xf32, #tpu.memory_space<vmem>> -> memref<800xf32, #tpu.memory_space<vmem>>
          %dma_wait3A_133 = tpu.memref_slice %arg4[%add3A_92] : memref<20000000xf32, #tpu.memory_space<hbm>> -> memref<800xf32, #tpu.memory_space<hbm>>
          %dma_wait3A_134 = arith.constant 15872 : i32
          %dma_wait3A_135 = tpu.memref_slice %arg9[%dma_wait3A_134] : memref<31744xf32, #tpu.memory_space<vmem>> -> memref<800xf32, #tpu.memory_space<vmem>>
          %dma_wait3A_136 = tpu.memref_slice %arg4[%add3A_92] : memref<20000000xf32, #tpu.memory_space<hbm>> -> memref<800xf32, #tpu.memory_space<hbm>>
          tpu.wait_dma2 semaphore(%run_scoped3A : memref<!tpu.dma_semaphore, #tpu.memory_space<semaphore_mem>>) src(%dma_wait3A_136 : memref<800xf32, #tpu.memory_space<hbm>>) dst(%dma_wait3A_135 : memref<800xf32, #tpu.memory_space<vmem>>)
          tpu.yield
        }) : () -> ()
        %mul3A_93 = arith.constant 8 : i32
        %mul3A_94 = arith.muli %scan3A_52, %mul3A_93 : i32
        %add3A_95 = arith.constant 5 : i32
        %add3A_96 = arith.addi %mul3A_94, %add3A_95 : i32
        %mul3A_97 = arith.constant 100000 : i32
        %mul3A_98 = arith.muli %add3A_96, %mul3A_97 : i32
        %add3A_99 = arith.constant 99200 : i32
        %add3A_100 = arith.addi %mul3A_98, %add3A_99 : i32
        "tpu.region"() ({
          %run_scoped3A = tpu.sem_alloc : memref<!tpu.dma_semaphore, #tpu.memory_space<semaphore_mem>>
          %dma_start3A = arith.constant 19840 : i32
          %dma_start3A_127 = tpu.memref_slice %arg9[%dma_start3A] : memref<31744xf32, #tpu.memory_space<vmem>> -> memref<800xf32, #tpu.memory_space<vmem>>
          %dma_start3A_128 = tpu.memref_slice %arg4[%add3A_100] : memref<20000000xf32, #tpu.memory_space<hbm>> -> memref<800xf32, #tpu.memory_space<hbm>>
          %dma_start3A_129 = arith.constant 19840 : i32
          %dma_start3A_130 = tpu.memref_slice %arg9[%dma_start3A_129] : memref<31744xf32, #tpu.memory_space<vmem>> -> memref<800xf32, #tpu.memory_space<vmem>>
          %dma_start3A_131 = tpu.memref_slice %arg4[%add3A_100] : memref<20000000xf32, #tpu.memory_space<hbm>> -> memref<800xf32, #tpu.memory_space<hbm>>
          tpu.enqueue_dma source(%dma_start3A_131 : memref<800xf32, #tpu.memory_space<hbm>>) target(%dma_start3A_130 : memref<800xf32, #tpu.memory_space<vmem>>) target_semaphore(%run_scoped3A : memref<!tpu.dma_semaphore, #tpu.memory_space<semaphore_mem>>)
          %dma_wait3A = arith.constant 19840 : i32
          %dma_wait3A_132 = tpu.memref_slice %arg9[%dma_wait3A] : memref<31744xf32, #tpu.memory_space<vmem>> -> memref<800xf32, #tpu.memory_space<vmem>>
          %dma_wait3A_133 = tpu.memref_slice %arg4[%add3A_100] : memref<20000000xf32, #tpu.memory_space<hbm>> -> memref<800xf32, #tpu.memory_space<hbm>>
          %dma_wait3A_134 = arith.constant 19840 : i32
          %dma_wait3A_135 = tpu.memref_slice %arg9[%dma_wait3A_134] : memref<31744xf32, #tpu.memory_space<vmem>> -> memref<800xf32, #tpu.memory_space<vmem>>
          %dma_wait3A_136 = tpu.memref_slice %arg4[%add3A_100] : memref<20000000xf32, #tpu.memory_space<hbm>> -> memref<800xf32, #tpu.memory_space<hbm>>
          tpu.wait_dma2 semaphore(%run_scoped3A : memref<!tpu.dma_semaphore, #tpu.memory_space<semaphore_mem>>) src(%dma_wait3A_136 : memref<800xf32, #tpu.memory_space<hbm>>) dst(%dma_wait3A_135 : memref<800xf32, #tpu.memory_space<vmem>>)
          tpu.yield
        }) : () -> ()
        %mul3A_101 = arith.constant 8 : i32
        %mul3A_102 = arith.muli %scan3A_52, %mul3A_101 : i32
        %add3A_103 = arith.constant 6 : i32
        %add3A_104 = arith.addi %mul3A_102, %add3A_103 : i32
        %mul3A_105 = arith.constant 100000 : i32
        %mul3A_106 = arith.muli %add3A_104, %mul3A_105 : i32
        %add3A_107 = arith.constant 99200 : i32
        %add3A_108 = arith.addi %mul3A_106, %add3A_107 : i32
        "tpu.region"() ({
          %run_scoped3A = tpu.sem_alloc : memref<!tpu.dma_semaphore, #tpu.memory_space<semaphore_mem>>
          %dma_start3A = arith.constant 23808 : i32
          %dma_start3A_127 = tpu.memref_slice %arg9[%dma_start3A] : memref<31744xf32, #tpu.memory_space<vmem>> -> memref<800xf32, #tpu.memory_space<vmem>>
          %dma_start3A_128 = tpu.memref_slice %arg4[%add3A_108] : memref<20000000xf32, #tpu.memory_space<hbm>> -> memref<800xf32, #tpu.memory_space<hbm>>
          %dma_start3A_129 = arith.constant 23808 : i32
          %dma_start3A_130 = tpu.memref_slice %arg9[%dma_start3A_129] : memref<31744xf32, #tpu.memory_space<vmem>> -> memref<800xf32, #tpu.memory_space<vmem>>
          %dma_start3A_131 = tpu.memref_slice %arg4[%add3A_108] : memref<20000000xf32, #tpu.memory_space<hbm>> -> memref<800xf32, #tpu.memory_space<hbm>>
          tpu.enqueue_dma source(%dma_start3A_131 : memref<800xf32, #tpu.memory_space<hbm>>) target(%dma_start3A_130 : memref<800xf32, #tpu.memory_space<vmem>>) target_semaphore(%run_scoped3A : memref<!tpu.dma_semaphore, #tpu.memory_space<semaphore_mem>>)
          %dma_wait3A = arith.constant 23808 : i32
          %dma_wait3A_132 = tpu.memref_slice %arg9[%dma_wait3A] : memref<31744xf32, #tpu.memory_space<vmem>> -> memref<800xf32, #tpu.memory_space<vmem>>
          %dma_wait3A_133 = tpu.memref_slice %arg4[%add3A_108] : memref<20000000xf32, #tpu.memory_space<hbm>> -> memref<800xf32, #tpu.memory_space<hbm>>
          %dma_wait3A_134 = arith.constant 23808 : i32
          %dma_wait3A_135 = tpu.memref_slice %arg9[%dma_wait3A_134] : memref<31744xf32, #tpu.memory_space<vmem>> -> memref<800xf32, #tpu.memory_space<vmem>>
          %dma_wait3A_136 = tpu.memref_slice %arg4[%add3A_108] : memref<20000000xf32, #tpu.memory_space<hbm>> -> memref<800xf32, #tpu.memory_space<hbm>>
          tpu.wait_dma2 semaphore(%run_scoped3A : memref<!tpu.dma_semaphore, #tpu.memory_space<semaphore_mem>>) src(%dma_wait3A_136 : memref<800xf32, #tpu.memory_space<hbm>>) dst(%dma_wait3A_135 : memref<800xf32, #tpu.memory_space<vmem>>)
          tpu.yield
        }) : () -> ()
        %mul3A_109 = arith.constant 8 : i32
        %mul3A_110 = arith.muli %scan3A_52, %mul3A_109 : i32
        %add3A_111 = arith.constant 7 : i32
        %add3A_112 = arith.addi %mul3A_110, %add3A_111 : i32
        %mul3A_113 = arith.constant 100000 : i32
        %mul3A_114 = arith.muli %add3A_112, %mul3A_113 : i32
        %add3A_115 = arith.constant 99200 : i32
        %add3A_116 = arith.addi %mul3A_114, %add3A_115 : i32
        "tpu.region"() ({
          %run_scoped3A = tpu.sem_alloc : memref<!tpu.dma_semaphore, #tpu.memory_space<semaphore_mem>>
          %dma_start3A = arith.constant 27776 : i32
          %dma_start3A_127 = tpu.memref_slice %arg9[%dma_start3A] : memref<31744xf32, #tpu.memory_space<vmem>> -> memref<800xf32, #tpu.memory_space<vmem>>
          %dma_start3A_128 = tpu.memref_slice %arg4[%add3A_116] : memref<20000000xf32, #tpu.memory_space<hbm>> -> memref<800xf32, #tpu.memory_space<hbm>>
          %dma_start3A_129 = arith.constant 27776 : i32
          %dma_start3A_130 = tpu.memref_slice %arg9[%dma_start3A_129] : memref<31744xf32, #tpu.memory_space<vmem>> -> memref<800xf32, #tpu.memory_space<vmem>>
          %dma_start3A_131 = tpu.memref_slice %arg4[%add3A_116] : memref<20000000xf32, #tpu.memory_space<hbm>> -> memref<800xf32, #tpu.memory_space<hbm>>
          tpu.enqueue_dma source(%dma_start3A_131 : memref<800xf32, #tpu.memory_space<hbm>>) target(%dma_start3A_130 : memref<800xf32, #tpu.memory_space<vmem>>) target_semaphore(%run_scoped3A : memref<!tpu.dma_semaphore, #tpu.memory_space<semaphore_mem>>)
          %dma_wait3A = arith.constant 27776 : i32
          %dma_wait3A_132 = tpu.memref_slice %arg9[%dma_wait3A] : memref<31744xf32, #tpu.memory_space<vmem>> -> memref<800xf32, #tpu.memory_space<vmem>>
          %dma_wait3A_133 = tpu.memref_slice %arg4[%add3A_116] : memref<20000000xf32, #tpu.memory_space<hbm>> -> memref<800xf32, #tpu.memory_space<hbm>>
          %dma_wait3A_134 = arith.constant 27776 : i32
          %dma_wait3A_135 = tpu.memref_slice %arg9[%dma_wait3A_134] : memref<31744xf32, #tpu.memory_space<vmem>> -> memref<800xf32, #tpu.memory_space<vmem>>
          %dma_wait3A_136 = tpu.memref_slice %arg4[%add3A_116] : memref<20000000xf32, #tpu.memory_space<hbm>> -> memref<800xf32, #tpu.memory_space<hbm>>
          tpu.wait_dma2 semaphore(%run_scoped3A : memref<!tpu.dma_semaphore, #tpu.memory_space<semaphore_mem>>) src(%dma_wait3A_136 : memref<800xf32, #tpu.memory_space<hbm>>) dst(%dma_wait3A_135 : memref<800xf32, #tpu.memory_space<vmem>>)
          tpu.yield
        }) : () -> ()
        %broadcast_in_dim3A_117 = arith.constant 8.000000e+00 : f32
        %broadcast_in_dim3A_118 = vector.broadcast %broadcast_in_dim3A_117 : f32 to vector<16xf32>
        %convert_element_type3A_119 = arith.sitofp %scan3A_52 : i32 to f32
        %mul3A_120 = vector.broadcast %convert_element_type3A_119 : f32 to vector<16xf32>
        %mul3A_121 = arith.mulf %broadcast_in_dim3A_118, %mul3A_120 : vector<16xf32>
        %scan3A_122 = arith.constant 0 : i32
        %scan3A_123 = arith.constant 50 : i32
        %scan3A_124 = arith.addi %scan3A_122, %scan3A_123 : i32
        %scan3A_125 = arith.constant 1 : i32
        scf.for %scan3A_127 = %scan3A_122 to %scan3A_124 step %scan3A_125  : i32 {
          %mul3A_128 = arith.constant 16 : i32
          %mul3A_129 = arith.muli %scan3A_127, %mul3A_128 : i32
          %get3A_130 = arith.index_cast %mul3A_129 : i32 to index
          %get3A_131 = tpu.vector_load %arg13[%get3A_130] {strides = array<i32>} : memref<3968xf32, #tpu.memory_space<vmem>>, vector<16xf32>,
          %get3A_132 = vector.shape_cast %get3A_131 : vector<16xf32> to vector<16xf32>
          %get3A_133 = arith.index_cast %mul3A_129 : i32 to index
          %get3A_134 = tpu.vector_load %arg10[%get3A_133] {strides = array<i32>} : memref<3968xf32, #tpu.memory_space<vmem>>, vector<16xf32>,
          %get3A_135 = vector.shape_cast %get3A_134 : vector<16xf32> to vector<16xf32>
          %get3A_136 = arith.index_cast %mul3A_129 : i32 to index
          %get3A_137 = tpu.vector_load %arg11[%get3A_136] {strides = array<i32>} : memref<3968xf32, #tpu.memory_space<vmem>>, vector<16xf32>,
          %get3A_138 = vector.shape_cast %get3A_137 : vector<16xf32> to vector<16xf32>
          %get3A_139 = arith.index_cast %mul3A_129 : i32 to index
          %get3A_140 = tpu.vector_load %arg12[%get3A_139] {strides = array<i32>} : memref<3968xf32, #tpu.memory_space<vmem>>, vector<16xf32>,
          %get3A_141 = vector.shape_cast %get3A_140 : vector<16xf32> to vector<16xf32>
          %mul3A_142 = arith.constant 16 : i32
          %mul3A_143 = arith.muli %scan3A_127, %mul3A_142 : i32
          %add3A_144 = arith.constant 0 : i32
          %add3A_145 = arith.addi %add3A_144, %mul3A_143 : i32
          %get3A_146 = arith.index_cast %add3A_145 : i32 to index
          %get3A_147 = tpu.vector_load %arg9[%get3A_146] {strides = array<i32>} : memref<31744xf32, #tpu.memory_space<vmem>>, vector<16xf32>,
          %get3A_148 = vector.shape_cast %get3A_147 : vector<16xf32> to vector<16xf32>
          %add3A_149 = arith.addf %get3A_135, %get3A_132 : vector<16xf32>
          %add3A_150 = arith.addf %add3A_149, %get3A_148 : vector<16xf32>
          %add3A_151 = arith.constant 0.000000e+00 : f32
          %add3A_152 = vector.broadcast %add3A_151 : f32 to vector<16xf32>
          %add3A_153 = arith.addf %mul3A_121, %add3A_152 : vector<16xf32>
          %ge3A = arith.cmpf oge, %add3A_150, %sub3A_29 : vector<16xf32>
          %select_n3A = arith.select %ge3A, %add3A_153, %broadcast_in_dim3A_37 : vector<16xi1>, vector<16xf32>
          %min3A = arith.minimumf %get3A_138, %select_n3A : vector<16xf32>
          %le3A = arith.cmpf ole, %add3A_150, %sub3A_36 : vector<16xf32>
          %select_n3A_154 = arith.select %le3A, %add3A_153, %broadcast_in_dim3A_37 : vector<16xi1>, vector<16xf32>
          %min3A_155 = arith.minimumf %get3A_141, %select_n3A_154 : vector<16xf32>
          %mul3A_156 = arith.constant 16 : i32
          %mul3A_157 = arith.muli %scan3A_127, %mul3A_156 : i32
          %add3A_158 = arith.constant 3968 : i32
          %add3A_159 = arith.addi %add3A_158, %mul3A_157 : i32
          %get3A_160 = arith.index_cast %add3A_159 : i32 to index
          %get3A_161 = tpu.vector_load %arg9[%get3A_160] {strides = array<i32>} : memref<31744xf32, #tpu.memory_space<vmem>>, vector<16xf32>,
          %get3A_162 = vector.shape_cast %get3A_161 : vector<16xf32> to vector<16xf32>
          %add3A_163 = arith.addf %add3A_150, %get3A_132 : vector<16xf32>
          %add3A_164 = arith.addf %add3A_163, %get3A_162 : vector<16xf32>
          %add3A_165 = arith.constant 1.000000e+00 : f32
          %add3A_166 = vector.broadcast %add3A_165 : f32 to vector<16xf32>
          %add3A_167 = arith.addf %mul3A_121, %add3A_166 : vector<16xf32>
          %ge3A_168 = arith.cmpf oge, %add3A_164, %sub3A_29 : vector<16xf32>
          %select_n3A_169 = arith.select %ge3A_168, %add3A_167, %broadcast_in_dim3A_37 : vector<16xi1>, vector<16xf32>
          %min3A_170 = arith.minimumf %min3A, %select_n3A_169 : vector<16xf32>
          %le3A_171 = arith.cmpf ole, %add3A_164, %sub3A_36 : vector<16xf32>
          %select_n3A_172 = arith.select %le3A_171, %add3A_167, %broadcast_in_dim3A_37 : vector<16xi1>, vector<16xf32>
          %min3A_173 = arith.minimumf %min3A_155, %select_n3A_172 : vector<16xf32>
          %mul3A_174 = arith.constant 16 : i32
          %mul3A_175 = arith.muli %scan3A_127, %mul3A_174 : i32
          %add3A_176 = arith.constant 7936 : i32
          %add3A_177 = arith.addi %add3A_176, %mul3A_175 : i32
          %get3A_178 = arith.index_cast %add3A_177 : i32 to index
          %get3A_179 = tpu.vector_load %arg9[%get3A_178] {strides = array<i32>} : memref<31744xf32, #tpu.memory_space<vmem>>, vector<16xf32>,
          %get3A_180 = vector.shape_cast %get3A_179 : vector<16xf32> to vector<16xf32>
          %add3A_181 = arith.addf %add3A_164, %get3A_132 : vector<16xf32>
          %add3A_182 = arith.addf %add3A_181, %get3A_180 : vector<16xf32>
          %add3A_183 = arith.constant 2.000000e+00 : f32
          %add3A_184 = vector.broadcast %add3A_183 : f32 to vector<16xf32>
          %add3A_185 = arith.addf %mul3A_121, %add3A_184 : vector<16xf32>
          %ge3A_186 = arith.cmpf oge, %add3A_182, %sub3A_29 : vector<16xf32>
          %select_n3A_187 = arith.select %ge3A_186, %add3A_185, %broadcast_in_dim3A_37 : vector<16xi1>, vector<16xf32>
          %min3A_188 = arith.minimumf %min3A_170, %select_n3A_187 : vector<16xf32>
          %le3A_189 = arith.cmpf ole, %add3A_182, %sub3A_36 : vector<16xf32>
          %select_n3A_190 = arith.select %le3A_189, %add3A_185, %broadcast_in_dim3A_37 : vector<16xi1>, vector<16xf32>
          %min3A_191 = arith.minimumf %min3A_173, %select_n3A_190 : vector<16xf32>
          %mul3A_192 = arith.constant 16 : i32
          %mul3A_193 = arith.muli %scan3A_127, %mul3A_192 : i32
          %add3A_194 = arith.constant 11904 : i32
          %add3A_195 = arith.addi %add3A_194, %mul3A_193 : i32
          %get3A_196 = arith.index_cast %add3A_195 : i32 to index
          %get3A_197 = tpu.vector_load %arg9[%get3A_196] {strides = array<i32>} : memref<31744xf32, #tpu.memory_space<vmem>>, vector<16xf32>,
          %get3A_198 = vector.shape_cast %get3A_197 : vector<16xf32> to vector<16xf32>
          %add3A_199 = arith.addf %add3A_182, %get3A_132 : vector<16xf32>
          %add3A_200 = arith.addf %add3A_199, %get3A_198 : vector<16xf32>
          %add3A_201 = arith.constant 3.000000e+00 : f32
          %add3A_202 = vector.broadcast %add3A_201 : f32 to vector<16xf32>
          %add3A_203 = arith.addf %mul3A_121, %add3A_202 : vector<16xf32>
          %ge3A_204 = arith.cmpf oge, %add3A_200, %sub3A_29 : vector<16xf32>
          %select_n3A_205 = arith.select %ge3A_204, %add3A_203, %broadcast_in_dim3A_37 : vector<16xi1>, vector<16xf32>
          %min3A_206 = arith.minimumf %min3A_188, %select_n3A_205 : vector<16xf32>
          %le3A_207 = arith.cmpf ole, %add3A_200, %sub3A_36 : vector<16xf32>
          %select_n3A_208 = arith.select %le3A_207, %add3A_203, %broadcast_in_dim3A_37 : vector<16xi1>, vector<16xf32>
          %min3A_209 = arith.minimumf %min3A_191, %select_n3A_208 : vector<16xf32>
          %mul3A_210 = arith.constant 16 : i32
          %mul3A_211 = arith.muli %scan3A_127, %mul3A_210 : i32
          %add3A_212 = arith.constant 15872 : i32
          %add3A_213 = arith.addi %add3A_212, %mul3A_211 : i32
          %get3A_214 = arith.index_cast %add3A_213 : i32 to index
          %get3A_215 = tpu.vector_load %arg9[%get3A_214] {strides = array<i32>} : memref<31744xf32, #tpu.memory_space<vmem>>, vector<16xf32>,
          %get3A_216 = vector.shape_cast %get3A_215 : vector<16xf32> to vector<16xf32>
          %add3A_217 = arith.addf %add3A_200, %get3A_132 : vector<16xf32>
          %add3A_218 = arith.addf %add3A_217, %get3A_216 : vector<16xf32>
          %add3A_219 = arith.constant 4.000000e+00 : f32
          %add3A_220 = vector.broadcast %add3A_219 : f32 to vector<16xf32>
          %add3A_221 = arith.addf %mul3A_121, %add3A_220 : vector<16xf32>
          %ge3A_222 = arith.cmpf oge, %add3A_218, %sub3A_29 : vector<16xf32>
          %select_n3A_223 = arith.select %ge3A_222, %add3A_221, %broadcast_in_dim3A_37 : vector<16xi1>, vector<16xf32>
          %min3A_224 = arith.minimumf %min3A_206, %select_n3A_223 : vector<16xf32>
          %le3A_225 = arith.cmpf ole, %add3A_218, %sub3A_36 : vector<16xf32>
          %select_n3A_226 = arith.select %le3A_225, %add3A_221, %broadcast_in_dim3A_37 : vector<16xi1>, vector<16xf32>
          %min3A_227 = arith.minimumf %min3A_209, %select_n3A_226 : vector<16xf32>
          %mul3A_228 = arith.constant 16 : i32
          %mul3A_229 = arith.muli %scan3A_127, %mul3A_228 : i32
          %add3A_230 = arith.constant 19840 : i32
          %add3A_231 = arith.addi %add3A_230, %mul3A_229 : i32
          %get3A_232 = arith.index_cast %add3A_231 : i32 to index
          %get3A_233 = tpu.vector_load %arg9[%get3A_232] {strides = array<i32>} : memref<31744xf32, #tpu.memory_space<vmem>>, vector<16xf32>,
          %get3A_234 = vector.shape_cast %get3A_233 : vector<16xf32> to vector<16xf32>
          %add3A_235 = arith.addf %add3A_218, %get3A_132 : vector<16xf32>
          %add3A_236 = arith.addf %add3A_235, %get3A_234 : vector<16xf32>
          %add3A_237 = arith.constant 5.000000e+00 : f32
          %add3A_238 = vector.broadcast %add3A_237 : f32 to vector<16xf32>
          %add3A_239 = arith.addf %mul3A_121, %add3A_238 : vector<16xf32>
          %ge3A_240 = arith.cmpf oge, %add3A_236, %sub3A_29 : vector<16xf32>
          %select_n3A_241 = arith.select %ge3A_240, %add3A_239, %broadcast_in_dim3A_37 : vector<16xi1>, vector<16xf32>
          %min3A_242 = arith.minimumf %min3A_224, %select_n3A_241 : vector<16xf32>
          %le3A_243 = arith.cmpf ole, %add3A_236, %sub3A_36 : vector<16xf32>
          %select_n3A_244 = arith.select %le3A_243, %add3A_239, %broadcast_in_dim3A_37 : vector<16xi1>, vector<16xf32>
          %min3A_245 = arith.minimumf %min3A_227, %select_n3A_244 : vector<16xf32>
          %mul3A_246 = arith.constant 16 : i32
          %mul3A_247 = arith.muli %scan3A_127, %mul3A_246 : i32
          %add3A_248 = arith.constant 23808 : i32
          %add3A_249 = arith.addi %add3A_248, %mul3A_247 : i32
          %get3A_250 = arith.index_cast %add3A_249 : i32 to index
          %get3A_251 = tpu.vector_load %arg9[%get3A_250] {strides = array<i32>} : memref<31744xf32, #tpu.memory_space<vmem>>, vector<16xf32>,
          %get3A_252 = vector.shape_cast %get3A_251 : vector<16xf32> to vector<16xf32>
          %add3A_253 = arith.addf %add3A_236, %get3A_132 : vector<16xf32>
          %add3A_254 = arith.addf %add3A_253, %get3A_252 : vector<16xf32>
          %add3A_255 = arith.constant 6.000000e+00 : f32
          %add3A_256 = vector.broadcast %add3A_255 : f32 to vector<16xf32>
          %add3A_257 = arith.addf %mul3A_121, %add3A_256 : vector<16xf32>
          %ge3A_258 = arith.cmpf oge, %add3A_254, %sub3A_29 : vector<16xf32>
          %select_n3A_259 = arith.select %ge3A_258, %add3A_257, %broadcast_in_dim3A_37 : vector<16xi1>, vector<16xf32>
          %min3A_260 = arith.minimumf %min3A_242, %select_n3A_259 : vector<16xf32>
          %le3A_261 = arith.cmpf ole, %add3A_254, %sub3A_36 : vector<16xf32>
          %select_n3A_262 = arith.select %le3A_261, %add3A_257, %broadcast_in_dim3A_37 : vector<16xi1>, vector<16xf32>
          %min3A_263 = arith.minimumf %min3A_245, %select_n3A_262 : vector<16xf32>
          %mul3A_264 = arith.constant 16 : i32
          %mul3A_265 = arith.muli %scan3A_127, %mul3A_264 : i32
          %add3A_266 = arith.constant 27776 : i32
          %add3A_267 = arith.addi %add3A_266, %mul3A_265 : i32
          %get3A_268 = arith.index_cast %add3A_267 : i32 to index
          %get3A_269 = tpu.vector_load %arg9[%get3A_268] {strides = array<i32>} : memref<31744xf32, #tpu.memory_space<vmem>>, vector<16xf32>,
          %get3A_270 = vector.shape_cast %get3A_269 : vector<16xf32> to vector<16xf32>
          %add3A_271 = arith.addf %add3A_254, %get3A_132 : vector<16xf32>
          %add3A_272 = arith.addf %add3A_271, %get3A_270 : vector<16xf32>
          %add3A_273 = arith.constant 7.000000e+00 : f32
          %add3A_274 = vector.broadcast %add3A_273 : f32 to vector<16xf32>
          %add3A_275 = arith.addf %mul3A_121, %add3A_274 : vector<16xf32>
          %ge3A_276 = arith.cmpf oge, %add3A_272, %sub3A_29 : vector<16xf32>
          %select_n3A_277 = arith.select %ge3A_276, %add3A_275, %broadcast_in_dim3A_37 : vector<16xi1>, vector<16xf32>
          %min3A_278 = arith.minimumf %min3A_260, %select_n3A_277 : vector<16xf32>
          %le3A_279 = arith.cmpf ole, %add3A_272, %sub3A_36 : vector<16xf32>
          %select_n3A_280 = arith.select %le3A_279, %add3A_275, %broadcast_in_dim3A_37 : vector<16xi1>, vector<16xf32>
          %min3A_281 = arith.minimumf %min3A_263, %select_n3A_280 : vector<16xf32>
          %swap3A = arith.index_cast %mul3A_129 : i32 to index
          %swap3A_282 = tpu.vector_load %arg10[%swap3A] {strides = array<i32>} : memref<3968xf32, #tpu.memory_space<vmem>>, vector<16xf32>,
          %swap3A_283 = vector.shape_cast %swap3A_282 : vector<16xf32> to vector<16xf32>
          %swap3A_284 = vector.shape_cast %add3A_272 : vector<16xf32> to vector<16xf32>
          tpu.vector_store %arg10[%swap3A], %swap3A_284 {strides = array<i32>} : memref<3968xf32, #tpu.memory_space<vmem>>, vector<16xf32>,
          %swap3A_285 = arith.index_cast %mul3A_129 : i32 to index
          %swap3A_286 = tpu.vector_load %arg11[%swap3A_285] {strides = array<i32>} : memref<3968xf32, #tpu.memory_space<vmem>>, vector<16xf32>,
          %swap3A_287 = vector.shape_cast %swap3A_286 : vector<16xf32> to vector<16xf32>
          %swap3A_288 = vector.shape_cast %min3A_278 : vector<16xf32> to vector<16xf32>
          tpu.vector_store %arg11[%swap3A_285], %swap3A_288 {strides = array<i32>} : memref<3968xf32, #tpu.memory_space<vmem>>, vector<16xf32>,
          %swap3A_289 = arith.index_cast %mul3A_129 : i32 to index
          %swap3A_290 = tpu.vector_load %arg12[%swap3A_289] {strides = array<i32>} : memref<3968xf32, #tpu.memory_space<vmem>>, vector<16xf32>,
          %swap3A_291 = vector.shape_cast %swap3A_290 : vector<16xf32> to vector<16xf32>
          %swap3A_292 = vector.shape_cast %min3A_281 : vector<16xf32> to vector<16xf32>
          tpu.vector_store %arg12[%swap3A_289], %swap3A_292 {strides = array<i32>} : memref<3968xf32, #tpu.memory_space<vmem>>, vector<16xf32>,
        }
        %scan3A_126 = arith.constant 50 : i32
      }
      %scan3A_46 = arith.constant 25 : i32
      %scan3A_47 = arith.constant 0 : i32
      %scan3A_48 = arith.constant 50 : i32
      %scan3A_49 = arith.addi %scan3A_47, %scan3A_48 : i32
      %scan3A_50 = arith.constant 1 : i32
      scf.for %scan3A_52 = %scan3A_47 to %scan3A_49 step %scan3A_50  : i32 {
        %mul3A_53 = arith.constant 16 : i32
        %mul3A_54 = arith.muli %scan3A_52, %mul3A_53 : i32
        %get3A_55 = arith.index_cast %mul3A_54 : i32 to index
        %get3A_56 = tpu.vector_load %arg11[%get3A_55] {strides = array<i32>} : memref<3968xf32, #tpu.memory_space<vmem>>, vector<16xf32>,
        %get3A_57 = vector.shape_cast %get3A_56 : vector<16xf32> to vector<16xf32>
        %get3A_58 = arith.index_cast %mul3A_54 : i32 to index
        %get3A_59 = tpu.vector_load %arg12[%get3A_58] {strides = array<i32>} : memref<3968xf32, #tpu.memory_space<vmem>>, vector<16xf32>,
        %get3A_60 = vector.shape_cast %get3A_59 : vector<16xf32> to vector<16xf32>
        %min3A = arith.minimumf %get3A_57, %get3A_60 : vector<16xf32>
        %lt3A_61 = arith.cmpf olt, %min3A, %broadcast_in_dim3A_37 : vector<16xf32>
        %mul3A_62 = arith.constant 0.00999999977 : f32
        %mul3A_63 = vector.broadcast %mul3A_62 : f32 to vector<16xf32>
        %mul3A_64 = arith.mulf %min3A, %mul3A_63 : vector<16xf32>
        %add3A_65 = arith.addf %mul3A_64, %get3A_20 : vector<16xf32>
        %add3A_66 = arith.constant 2.000000e+00 : f32
        %add3A_67 = vector.broadcast %add3A_66 : f32 to vector<16xf32>
        %add3A_68 = arith.addf %add3A_67, %get3A_20 : vector<16xf32>
        %select_n3A = arith.select %lt3A_61, %add3A_65, %add3A_68 : vector<16xi1>, vector<16xf32>
        %swap3A = arith.index_cast %mul3A_54 : i32 to index
        %swap3A_69 = tpu.vector_load %arg14[%swap3A] {strides = array<i32>} : memref<3968xf32, #tpu.memory_space<vmem>>, vector<16xf32>,
        %swap3A_70 = vector.shape_cast %swap3A_69 : vector<16xf32> to vector<16xf32>
        %swap3A_71 = vector.shape_cast %select_n3A : vector<16xf32> to vector<16xf32>
        tpu.vector_store %arg14[%swap3A], %swap3A_71 {strides = array<i32>} : memref<3968xf32, #tpu.memory_space<vmem>>, vector<16xf32>,
        %le3A = arith.cmpf ole, %get3A_57, %get3A_60 : vector<16xf32>
        %jit3A = arith.constant 1.000000e+00 : f32
        %jit3A_72 = arith.constant 0.000000e+00 : f32
        %broadcast_in_dim3A_73 = vector.broadcast %jit3A : f32 to vector<16xf32>
        %broadcast_in_dim3A_74 = vector.broadcast %jit3A_72 : f32 to vector<16xf32>
        %select_n3A_75 = arith.select %le3A, %broadcast_in_dim3A_73, %broadcast_in_dim3A_74 : vector<16xi1>, vector<16xf32>
        %jit3A_76 = arith.constant 5.000000e-01 : f32
        %broadcast_in_dim3A_77 = vector.broadcast %jit3A_76 : f32 to vector<16xf32>
        %select_n3A_78 = arith.select %lt3A_61, %select_n3A_75, %broadcast_in_dim3A_77 : vector<16xi1>, vector<16xf32>
        %swap3A_79 = arith.index_cast %mul3A_54 : i32 to index
        %swap3A_80 = tpu.vector_load %arg15[%swap3A_79] {strides = array<i32>} : memref<3968xf32, #tpu.memory_space<vmem>>, vector<16xf32>,
        %swap3A_81 = vector.shape_cast %swap3A_80 : vector<16xf32> to vector<16xf32>
        %swap3A_82 = vector.shape_cast %select_n3A_78 : vector<16xf32> to vector<16xf32>
        tpu.vector_store %arg15[%swap3A_79], %swap3A_82 {strides = array<i32>} : memref<3968xf32, #tpu.memory_space<vmem>>, vector<16xf32>,
      }
      %scan3A_51 = arith.constant 50 : i32
      "tpu.region"() ({
        %run_scoped3A = tpu.sem_alloc : memref<!tpu.dma_semaphore, #tpu.memory_space<semaphore_mem>>
        %dma_start3A = arith.constant 0 : i32
        %dma_start3A_52 = tpu.memref_slice %arg14[%dma_start3A] : memref<3968xf32, #tpu.memory_space<vmem>> -> memref<800xf32, #tpu.memory_space<vmem>>
        %dma_start3A_53 = arith.constant 99200 : i32
        %dma_start3A_54 = tpu.memref_slice %arg5[%dma_start3A_53] : memref<100000xf32, #tpu.memory_space<hbm>> -> memref<800xf32, #tpu.memory_space<hbm>>
        %dma_start3A_55 = arith.constant 99200 : i32
        %dma_start3A_56 = tpu.memref_slice %arg5[%dma_start3A_55] : memref<100000xf32, #tpu.memory_space<hbm>> -> memref<800xf32, #tpu.memory_space<hbm>>
        %dma_start3A_57 = arith.constant 0 : i32
        %dma_start3A_58 = tpu.memref_slice %arg14[%dma_start3A_57] : memref<3968xf32, #tpu.memory_space<vmem>> -> memref<800xf32, #tpu.memory_space<vmem>>
        tpu.enqueue_dma source(%dma_start3A_58 : memref<800xf32, #tpu.memory_space<vmem>>) target(%dma_start3A_56 : memref<800xf32, #tpu.memory_space<hbm>>) target_semaphore(%run_scoped3A : memref<!tpu.dma_semaphore, #tpu.memory_space<semaphore_mem>>)
        %dma_wait3A = arith.constant 0 : i32
        %dma_wait3A_59 = tpu.memref_slice %arg14[%dma_wait3A] : memref<3968xf32, #tpu.memory_space<vmem>> -> memref<800xf32, #tpu.memory_space<vmem>>
        %dma_wait3A_60 = arith.constant 99200 : i32
        %dma_wait3A_61 = tpu.memref_slice %arg5[%dma_wait3A_60] : memref<100000xf32, #tpu.memory_space<hbm>> -> memref<800xf32, #tpu.memory_space<hbm>>
        %dma_wait3A_62 = arith.constant 99200 : i32
        %dma_wait3A_63 = tpu.memref_slice %arg5[%dma_wait3A_62] : memref<100000xf32, #tpu.memory_space<hbm>> -> memref<800xf32, #tpu.memory_space<hbm>>
        %dma_wait3A_64 = arith.constant 0 : i32
        %dma_wait3A_65 = tpu.memref_slice %arg14[%dma_wait3A_64] : memref<3968xf32, #tpu.memory_space<vmem>> -> memref<800xf32, #tpu.memory_space<vmem>>
        tpu.wait_dma2 semaphore(%run_scoped3A : memref<!tpu.dma_semaphore, #tpu.memory_space<semaphore_mem>>) src(%dma_wait3A_65 : memref<800xf32, #tpu.memory_space<vmem>>) dst(%dma_wait3A_63 : memref<800xf32, #tpu.memory_space<hbm>>)
        tpu.yield
      }) : () -> ()
      "tpu.region"() ({
        %run_scoped3A = tpu.sem_alloc : memref<!tpu.dma_semaphore, #tpu.memory_space<semaphore_mem>>
        %dma_start3A = arith.constant 0 : i32
        %dma_start3A_52 = tpu.memref_slice %arg15[%dma_start3A] : memref<3968xf32, #tpu.memory_space<vmem>> -> memref<800xf32, #tpu.memory_space<vmem>>
        %dma_start3A_53 = arith.constant 99200 : i32
        %dma_start3A_54 = tpu.memref_slice %arg6[%dma_start3A_53] : memref<100000xf32, #tpu.memory_space<hbm>> -> memref<800xf32, #tpu.memory_space<hbm>>
        %dma_start3A_55 = arith.constant 99200 : i32
        %dma_start3A_56 = tpu.memref_slice %arg6[%dma_start3A_55] : memref<100000xf32, #tpu.memory_space<hbm>> -> memref<800xf32, #tpu.memory_space<hbm>>
        %dma_start3A_57 = arith.constant 0 : i32
        %dma_start3A_58 = tpu.memref_slice %arg15[%dma_start3A_57] : memref<3968xf32, #tpu.memory_space<vmem>> -> memref<800xf32, #tpu.memory_space<vmem>>
        tpu.enqueue_dma source(%dma_start3A_58 : memref<800xf32, #tpu.memory_space<vmem>>) target(%dma_start3A_56 : memref<800xf32, #tpu.memory_space<hbm>>) target_semaphore(%run_scoped3A : memref<!tpu.dma_semaphore, #tpu.memory_space<semaphore_mem>>)
        %dma_wait3A = arith.constant 0 : i32
        %dma_wait3A_59 = tpu.memref_slice %arg15[%dma_wait3A] : memref<3968xf32, #tpu.memory_space<vmem>> -> memref<800xf32, #tpu.memory_space<vmem>>
        %dma_wait3A_60 = arith.constant 99200 : i32
        %dma_wait3A_61 = tpu.memref_slice %arg6[%dma_wait3A_60] : memref<100000xf32, #tpu.memory_space<hbm>> -> memref<800xf32, #tpu.memory_space<hbm>>
        %dma_wait3A_62 = arith.constant 99200 : i32
        %dma_wait3A_63 = tpu.memref_slice %arg6[%dma_wait3A_62] : memref<100000xf32, #tpu.memory_space<hbm>> -> memref<800xf32, #tpu.memory_space<hbm>>
        %dma_wait3A_64 = arith.constant 0 : i32
        %dma_wait3A_65 = tpu.memref_slice %arg15[%dma_wait3A_64] : memref<3968xf32, #tpu.memory_space<vmem>> -> memref<800xf32, #tpu.memory_space<vmem>>
        tpu.wait_dma2 semaphore(%run_scoped3A : memref<!tpu.dma_semaphore, #tpu.memory_space<semaphore_mem>>) src(%dma_wait3A_65 : memref<800xf32, #tpu.memory_space<vmem>>) dst(%dma_wait3A_63 : memref<800xf32, #tpu.memory_space<hbm>>)
        tpu.yield
      }) : () -> ()
    } else {
    }
    return
  }
}

</mosaic_0001>

<sc_bundles>
// kernel: kernel.3.cloned.1.call-start
scs
__scs_entry_jumppad:
0x0: {  	(pc) =	sbr.rel $0x88, $3  }
0x1: {  	(tag) =	ssettag $0x0;
	lr =	simm.s32 $0x1  }
0x2: {  	[smem:$0x3F9B] =	sst lr;
	_ =	strace $0xD0000000  }
0x3: {  	_ = 	snop  }
0x4: {  	_ = 	snop  }
0x5: {  	_ = 	snop  }
0x6: {  	_ = 	snop  }
0x7: {  	_ = 	snop  }
__scs_overlays_trampoline_lowered:
0x8: {  	[smem:$0x3FAA] =	sst s0  }
0x9: {  	[smem:$0x3FAB] =	sst s1  }
0xa: {  	[smem:$0x3FAC] =	sst s2  }
0xb: {  	[smem:$0x3FAD] =	sst s3  }
0xc: {  	[smem:$0x3FAE] =	sst s4  }
0xd: {  	[smem:$0x3FAF] =	sst s5  }
0xe: {  	[smem:$0x3FB0] =	sst s6  }
0xf: {  	[smem:$0x3FB1] =	sst s7  }
0x10: {  	[smem:$0x3FB2] =	sst s8  }
0x11: {  	[smem:$0x3FB3] =	sst s9;
	s0 =	simm.s32 @!p0 $0x0  }
0x12: {  	s1 =	sld [smem:$0x3F99];
	s0 =	simm.s32 @p0 $0x1  }
0x13: {  	[smem:$0x3FB4] =	sst s0;
	s0 =	simm.s32 @!p1 $0x0  }
0x14: {  	s2 =	sld [smem:$0x3F98];
	s0 =	simm.s32 @p1 $0x1  }
0x15: {  	[smem:$0x3FB5] =	sst s0;
	s0 =	simm.s32 @!p2 $0x0  }
0x16: {  	s3 =	sld [smem:$0x3FDB];
	s0 =	simm.s32 @p2 $0x1  }
0x17: {  	s4 =	simm.s32 $0x1BF5;
	[smem:$0x3FB7] =	sst s0  }
0x18: {  	s0 =	sld [smem:$0x3F9A];
	_ =	swait.ge [sflag:s4], $0x0  }
0x19: {  	s7 =	sld [smem:$0x3F9B]  }
0x1a: {  	s8 =	sadd.s32 $0xFFFFE003, lr  }
0x1b: {  	s9 =	sadd.s32 $0xFFFFFEF7, lr;
	s5 =	simm.s32 $0xFFFFFFFF;
	p2 =	slt.u32 s8, $0xFFFFF086  }
0x1c: {  	p1 =	slt.u32 s9, $0xF7A;
	s5 =	simm.s32 @!p2 $0x0  }
0x1d: {  	s5 =	simm.s32 @p1 $0x1;
	p0 =	seq.s32 s7, s2  }
0x1e: {  	s7 =	smul.u32 @!p0 $0xF7A, s2;
	p2 =	seq.s32 @!p0 s5, $0x0  }
0x1f: {  	s9 =	smul.u32 $0xF7A, s1;
	s8 =	simm.s32 @!p0 $0x1BF5;
	p2 =	por !p2, p0  }
0x20: {  	[sflag:s8] =	ssyncset.s32 @!p0 $0xFFFFF086;
	s6 =	sadd.s32 @!p0 s3, s7;
	s7 =	simm.s32 @!p0 $0x108  }
0x21: {  	s3 =	sadd.s32 s3, s9;
	s6 =	sadd.s32 @!p0 $0x88, s6;
	s7 =	simm.s32 @p2 $0x1082  }
0x22: {  	[simem:s7], [sflag:s8] =	dma.local @!p0 [hbm:s6], $0xF7A  }
0x23: {  	s9 =	sor.u32 $0xD0000000, s2;
	s6 =	simm.s32 $0x108;
	_ =	swait.ge @!p0 [sflag:s8], $0x0  }
0x24: {  	s3 =	sadd.s32 $0x88, s3;
	s6 =	simm.s32 @!p1 $0x1082;
	[sflag:s4] =	ssyncset.s32 $0xFFFFF086  }
0x25: {  	[simem:s6], [sflag:s4] =	dma.local [hbm:s3], $0xF7A  }
0x26: {  	[smem:$0x3F9B] =	sst s1;
	(tag) =	ssettag s2;
	_ =	strace s9  }
0x27: {  	s1 =	sld [smem:$0x3FAB]  }
0x28: {  	s2 =	sld [smem:$0x3FAC]  }
0x29: {  	s4 =	sld [smem:$0x3FAE]  }
0x2a: {  	p0 =	seq.s32 s5, $0x0;
	s5 =	sld [smem:$0x3FAF]  }
0x2b: {  	s6 =	sld [smem:$0x3FB0]  }
0x2c: {  	s7 =	sld [smem:$0x3FB1]  }
0x2d: {  	s3 =	simm.s32 $0x108;
	s8 =	sld [smem:$0x3FB2]  }
0x2e: {  	s3 =	simm.s32 @!p0 $0x1082;
	s9 =	sld [smem:$0x3FB3]  }
0x2f: {  	lr =	sadd.s32 s0, s3;
	s0 =	sld [smem:$0x3FAA]  }
0x30: {  	s3 =	sld [smem:$0x3FAD]  }
0x31: {  	[smem:$0x3FB6] =	sst s10  }
0x32: {  	s10 =	sld [smem:$0x3FB4];
	_ =	sdelay $0x3  }
0x33: {  	p0 =	seq.s32 s10, $0x1;
	s10 =	sld [smem:$0x3FB6];
	_ =	sdelay $0x3  }
0x34: {  	[smem:$0x3FB6] =	sst s10  }
0x35: {  	s10 =	sld [smem:$0x3FB5];
	_ =	sdelay $0x3  }
0x36: {  	p1 =	seq.s32 s10, $0x1;
	s10 =	sld [smem:$0x3FB6];
	_ =	sdelay $0x3  }
0x37: {  	[smem:$0x3FB6] =	sst s10  }
0x38: {  	s10 =	sld [smem:$0x3FB7]  }
0x39: {  	_ = 	snop;
	(pc) =	sbr.ind lr, $3  }
0x3a: {  	_ = 	snop  }
0x3b: {  	_ = 	snop  }
0x3c: {  	p2 =	seq.s32 s10, $0x1;
	s10 =	sld [smem:$0x3FB6]  }
0x3d: {  	_ =	shalt  }
0x3e: {  	_ =	shalt  }
0x3f: {  	_ =	shalt  }
0x40: {  	_ =	shalt  }
0x41: {  	_ =	shalt  }
0x42: {  	_ =	shalt  }
0x43: {  	_ =	shalt  }
0x44: {  	_ =	shalt  }
0x45: {  	_ =	shalt  }
0x46: {  	_ =	shalt  }
0x47: {  	_ =	shalt  }
0x48: {  	_ =	shalt  }
0x49: {  	_ =	shalt  }
0x4a: {  	_ =	shalt  }
0x4b: {  	_ =	shalt  }
0x4c: {  	_ =	shalt  }
0x4d: {  	_ =	shalt  }
0x4e: {  	_ =	shalt  }
0x4f: {  	_ =	shalt  }
0x50: {  	_ =	shalt  }
0x51: {  	_ =	shalt  }
0x52: {  	_ =	shalt  }
0x53: {  	_ =	shalt  }
0x54: {  	_ =	shalt  }
0x55: {  	_ =	shalt  }
0x56: {  	_ =	shalt  }
0x57: {  	_ =	shalt  }
0x58: {  	_ =	shalt  }
0x59: {  	_ =	shalt  }
0x5a: {  	_ =	shalt  }
0x5b: {  	_ =	shalt  }
0x5c: {  	_ =	shalt  }
0x5d: {  	_ =	shalt  }
0x5e: {  	_ =	shalt  }
0x5f: {  	_ =	shalt  }
0x60: {  	_ =	shalt  }
0x61: {  	_ =	shalt  }
0x62: {  	_ =	shalt  }
0x63: {  	_ =	shalt  }
0x64: {  	_ =	shalt  }
0x65: {  	_ =	shalt  }
0x66: {  	_ =	shalt  }
0x67: {  	_ =	shalt  }
0x68: {  	_ =	shalt  }
0x69: {  	_ =	shalt  }
0x6a: {  	_ =	shalt  }
0x6b: {  	_ =	shalt  }
0x6c: {  	_ =	shalt  }
0x6d: {  	_ =	shalt  }
0x6e: {  	_ =	shalt  }
0x6f: {  	_ =	shalt  }
0x70: {  	_ =	shalt  }
0x71: {  	_ =	shalt  }
0x72: {  	_ =	shalt  }
0x73: {  	_ =	shalt  }
0x74: {  	_ =	shalt  }
0x75: {  	_ =	shalt  }
0x76: {  	_ =	shalt  }
0x77: {  	_ =	shalt  }
0x78: {  	_ =	shalt  }
0x79: {  	_ =	shalt  }
0x7a: {  	_ =	shalt  }
0x7b: {  	_ =	shalt  }
0x7c: {  	_ =	shalt  }
0x7d: {  	_ =	shalt  }
0x7e: {  	_ =	shalt  }
0x7f: {  	_ =	shalt  }
0x80: {  	_ =	shalt  }
0x81: {  	_ =	shalt  }
0x82: {  	_ =	shalt  }
0x83: {  	_ =	shalt  }
0x84: {  	_ =	shalt  }
0x85: {  	_ =	shalt  }
0x86: {  	_ =	shalt  }
0x87: {  	_ =	shalt  }
.Lfunc_end0:
.L_simem_size_0:
called_computation_lowered:
.L_overlay_start_0:
0x88: {  	s2 =	sld [smem:$0x3FD9]  }
0x89: {  	s3 =	sld [smem:$0x3FFE];
	_ =	sdelay $0x1  }
0x8a: {  	s1 =	srdreg.scid  }
0x8b: {  	s0 =	sand.u32 $0x1, s1  }
0x8c: {  	s14 =	sshll.u32 s0, $0xA;
	s2 =	sadd.s32 s3, s2  }
0x8d: {  	s2 =	sadd.s32 s2, s14  }
0x8e: {  	[smem:$0x3FC2] =	sst s2  }
0x8f: {  	_ = 	snop  }
0x90: {  	s2 =	sld [smem:$0x3FD0];
	_ =	sdelay $0x2  }
0x91: {  	s15 =	simm.s32 $0xA;
	s4 =	simm.s32 $0x10  }
0x92: {  	[smem:s4], [sflag:s15] =	dma.local [hbm:s2], $0x1  }
0x93: {  	_ =	swait.eq [sflag:s15], $0x1  }
0x94: {  	[sflag:s15] =	ssyncset.done $0x0  }
0x95: {  	s16 =	sld [smem:$0x10];
	[sflag:s15] =	ssyncadd.s32 $0xFFFFFFFF  }
0x96: {  	s17 =	sld [smem:$0x11];
	(tm) =	ssettm $0x1  }
0x97: {  	s18 =	sld [smem:$0x3FFB];
	_ =	sdelay $0x3  }
0x98: {  	_ =	strace s18  }
0x99: {  	s4 =	sld [smem:$0x3FFC];
	_ =	sdelay $0x3  }
0x9a: {  	_ =	strace s4  }
0x9b: {  	s4 =	sld [smem:$0x3FFD];
	_ =	sdelay $0x3  }
0x9c: {  	_ =	strace s4  }
0x9d: {  	_ =	strace $0x8FFFFFFF  }
0x9e: {  	s19 =	sld [smem:$0x3FDB];
	_ =	sdelay $0x1  }
0x9f: {  	s5 =	simm.s32 $_scs_section_size  }
0xa0: {  	s6 =	simm.s32 $_size__tile_overlayer_lowered;
	s7 =	simm.s32 $_tile_overlayer_lowered  }
0xa1: {  	s22 =	simm.s32 $0x1BFF;
	s21 =	sshll.u32 s7, $0x1;
	s4 =	sadd.s32 s5, s19  }
0xa2: {  	s8 =	simm.s32 $0x0;
	s20 =	sshll.u32 s6, $0x1;
	s6 =	sadd.s32 s21, s4  }
0xa3: {  	[timem:s8], [sflag:s22] =	dma.local [hbm:s6], s20  }
0xa4: {  	_ =	swait.ge [sflag:s22], s20  }
0xa5: {  	s5 =	ssub.s32 $0x0, s20;
	[sflag:s22] =	ssyncset.done $0x0  }
0xa6: {  	[sflag:s22] =	ssyncadd.s32 s5;
	_ =	sdelay $0x1  }
0xa7: {  	s23 =	simm.s32 $0x1B8B  }
0xa8: {  	_ =	swait.ge [sflag:s23], $0x1  }
0xa9: {  	[sflag:s23] =	ssyncset.done $0x0  }
0xaa: {  	s25 =	simm.s32 $0x1B8E;
	s24 =	sld [smem:$0x3FFE];
	[sflag:s23] =	ssyncadd.s32 $0xFFFFFFFF  }
0xab: {  	s26 =	simm.s32 $execute0_lowered;
	[smem:$0x3FD2] =	sst s25  }
0xac: {  	s6 =	sshll.u32 s26, $0x1;
	_ =	strace $0x80000046;
	[dreg:$0x1] =	wrdreg $0xFFFFFFFF  }
0xad: {  	s28 =	simm.s32 $_size_execute0_lowered;
	s4 =	sadd.s32 s4, s6;
	[dreg:$0x0] =	wrdreg $0x0  }
0xae: {  	s6 =	sshll.u32 s28, $0x1;
	[dreg:$0x2] =	wrdreg s4  }
0xaf: {  	[dreg:$0x3] =	wrdreg s6  }
0xb0: {  	[dreg:$0x4] =	wrdreg $0xC0  }
0xb1: {  	_ =	task [dreg:s8], $0x5FFFF  }
0xb2: {  	[dreg:$0x1] =	wrdreg $0xFFFFFFFF  }
0xb3: {  	[dreg:$0x0] =	wrdreg $0x60  }
0xb4: {  	[dreg:$0x2] =	wrdreg s24  }
0xb5: {  	[dreg:$0x3] =	wrdreg s16  }
0xb6: {  	[dreg:$0x4] =	wrdreg s17  }
0xb7: {  	[dreg:$0x5] =	wrdreg $0x9  }
0xb8: {  	_ =	task.clear_ibuf [dreg:s8], $0x6FFFF;
	_ =	strace $0x90000046  }
0xb9: {  	s29 =	simm.s32 $0x9;
	_ =	strace $0x80000048  }
0xba: {  	_ =	swait.ge [sflag:s29], $0x1  }
0xbb: {  	[sflag:s29] =	ssyncadd.s32 $0xFFFFFFFF  }
0xbc: {  	_ =	strace $0x90000048  }
0xbd: {  	_ =	sfence  }
0xbe: {  	s30 =	sld [smem:$0x0];
	_ =	sdelay $0x2  }
0xbf: {  	s31 =	sshll.u32 s1, $0xD;
	s1 =	sshrl.u32 s1, $0x2  }
0xc0: {  	s3 =	sand.u32 $0x4000, s31;
	s1 =	sadd.s32 s1, s30  }
0xc1: {  	s0 =	sor.u32 s3, s0;
	s1 =	sshll.u32 s1, $0x11  }
0xc2: {  	s0 =	sor.u32 s1, s0  }
0xc3: {  	s0 =	sadd.s32 $0x8F2B, s0  }
0xc4: {  	[sflag:s0] =	ssyncadd.remote.s32 $0x1  }
0xc5: {  	_ =	sfence.sel $0xFFFF  }
0xc6: {  	[dreg:$0x0] =	wrdreg $0xFFFFFFFF;
	(pc) =	sbr.abs _section_cstart, $3  }
0xc7: {  	[dreg:$0x1] =	wrdreg $0xFFFFFFFF  }
0xc8: {  	_ =	task.clear_ibuf [dreg:s8], $0x2FFFF;
	_ =	strace $0x9FFFFFFF  }
0xc9: {  	(tm) =	ssettm $0x7FFFFFFF  }
tec
execute0_lowered:
.L_overlay_start_1:
0x0: {  	(tag) =	ssettag $0x1  }
0x1: {  	s0 =	rddreg [dreg:$0x0]  }
0x2: {  	s1 =	srdreg.scid;
	s6 =	rddreg [dreg:$0x1]  }
0x3: {  	s2 =	stileid.u32;
	s14 =	rddreg [dreg:$0x2];
	s20 =	simm.s32 $0x1  }
0x4: {  	s22 =	simm.s32 $0x2100;
	s23 =	simm.s32 $0x3080;
	s24 =	simm.s32 $0x4000  }
0x5: {  	s25 =	simm.s32 $0x4F80;
	s26 =	simm.s32 $0x5F00;
	s28 =	simm.s32 $0x6E80  }
0x6: {  	s29 =	simm.s32 $0x7E00;
	s1 =	sand.u32 $0x1, s1;
	s2 =	sshll.u32 s2, $0x1  }
0x7: {  	s4 =	sadd.s32 $0x400, s0;
	s5 =	sadd.s32 $0x800, s0;
	s30 =	sadd.s32 $0x3070, s6  }
0x8: {  	s31 =	sadd.s32 $0x3070, s14;
	s15 =	sor.u32 s1, s2;
	s2 =	simm.s32 $0x0  }
0x9: {  	s1 =	ssub.s32 $0x2, s1;
	s3 =	smul.u32 $0xF80, s15;
	[smem:$0x7FF] =	sst s2  }
0xa: {  	s8 =	sshrl.u32 s1, $0x1;
	p0 =	sgt.u32 s15, $0x18;
	p1 =	sne.s32 s15, $0x19  }
0xb: {  	_ =	strace $0x80000047;
	s1 =	ssub.s32 s1, s8;
	[dreg:$0x8] =	wrdreg s30  }
0xc: {  	[dreg:$0x9] =	wrdreg s31;
	s16 =	sshrl.u32 s3, $0x3;
	s8 =	sadd.s32 $0x30D40, s3  }
0xd: {  	s9 =	sadd.s32 $0x493E0, s3;
	s10 =	sadd.s32 $0x61A80, s3;
	s11 =	sadd.s32 $0x7A120, s3  }
.Ltmp0:
0xe: {  	s12 =	sadd.s32 $0x927C0, s3;
	s17 =	sadd.s32 s6, s16;
	(pc) =	sbr.rel .LBB2_1-.Ltmp0, $4  }
0xf: {  	s7 =	sadd.s32 s16, s0;
	s16 =	sadd.s32 s14, s16;
	[dreg:$0x5] =	wrdreg s17  }
0x10: {  	s13 =	sadd.s32 $0xAAE60, s3;
	s0 =	sadd.s32 $0x265E70, s0;
	[dreg:$0x6] =	wrdreg s16  }
0x11: {  	s19 =	smax.u32 s1, $0x1;
	s7 =	sadd.s32 $0x262E00, s7;
	[dreg:$0x7] =	wrdreg s0  }
0x12: {  	v0 =	vimm.f32 $1.000000000e+09;
	v1 =	vimm.f32 $0.0e+00;
	s1 =	simm.s32 $0x0;
	[dreg:$0x4] =	wrdreg s7;
	s7 =	sadd.s32 $0x186A0, s3  }
.LBB2_21:
0x13: {  	s1 =	sadd.s32 $0x1, s1  }
0x14: {  	p2 =	sne.s32 s1, s19  }
.Ltmp1:
0x15: {  	_ = 	snop;
	(pc) =	sbr.rel @!p2 .LBB2_22-.Ltmp1, $1  }
0x16: {  	_ =	sdelay $0x3  }
.LBB2_1:
.Ltmp2:
0x17: {  	(pc) =	sbr.rel @p0 .LBB2_11-.Ltmp2, $1  }
0x18: {  	_ =	sdelay $0x3  }
0x19: {  	s0 =	simm.s32 $0x0  }
0x1a: {  	[tilespmem:s0], [sflag:$0x1] =	stream.linear.gather [hbm4b:s4+s0], $0x200, $0x38;
	[tilespmem:$0xEA80] =	vst v63  }
0x1b: {  	_ =	swait.ge [sflag:s20], $0x200  }
0x1c: {  	[sflag:s20] =	ssyncset.done $0x0  }
0x1d: {  	s14 =	simm.s32 $0x200;
	s6 =	rddreg [dreg:$0x4];
	[sflag:s20] =	ssyncadd.s32 $0xFFFFFE00  }
0x1e: {  	[tilespmem:s14], [sflag:$0x1] =	stream.linear.gather [hbm4b:s6+s0], $0xF80, $0x38;
	[tilespmem:$0xEA80] =	vst v63  }
0x1f: {  	_ =	swait.ge [sflag:s20], $0xF80  }
0x20: {  	[sflag:s20] =	ssyncset.done $0x0  }
0x21: {  	[sflag:s20] =	ssyncadd.s32 $0xFFFFF080  }
0x22: {  	v3 =	vld [tilespmem:$0x0]  }
0x23: {  	v2 =	vld [tilespmem:$0x80];
	_ =	sdelay $0x1  }
0x24: {  	v5 =	vld [tilespmem:$0x180]  }
0x25: {  	s0 =	simm.s32 $0x0  }
0x26: {  	v6 =	vld [tilespmem:s0+$0x200]  }
0x27: {  	v4 =	vmul.f32 v2, v3;
	v2 =	vld [tilespmem:$0x100];
	[tilespmem:s0+$0x9D00] =	vst v0  }
0x28: {  	[tilespmem:s0+$0xAC80] =	vst v0  }
0x29: {  	s6 =	simm.s32 $0x40;
	v5 =	vmul.f32 $9.999999770e-03, v5;
	[tilespmem:s0+$0x8D80] =	vst v4  }
.LBB2_3:
0x2a: {  	p2 =	sne.s32 s6, $0x3DC0  }
.Ltmp3:
0x2b: {  	s14 =	sshra.s32 s6, $0x2;
	s6 =	sadd.s32 $0x40, s6;
	v7 =	vmul.f32 v6, v5;
	(pc) =	sbr.rel @p2 .LBB2_3-.Ltmp3, $4  }
0x2c: {  	[tilespmem:s14+$0x8D80] =	vst v4;
	v6 =	vld [tilespmem:s14+$0x200]  }
0x2d: {  	[tilespmem:s0+$0xBC00] =	vst v7;
	s0 =	smov.u32 s14  }
0x2e: {  	[tilespmem:s0+$0x9D00] =	vst v0  }
0x2f: {  	[tilespmem:s0+$0xAC80] =	vst v0  }
0x30: {  	v7 =	vsub.f32 $0.0e+00, v3;
	_ =	sdelay $0x1  }
0x31: {  	v3 =	vadd.f32 $-9.999999970e-07, v3;
	v5 =	vmul.f32 v6, v5;
	v6 =	vadd.f32 $9.999999970e-07, v7;
	_ =	sdelay $0x1  }
0x32: {  	s21 =	simm.s32 $0x0;
	v3 =	vsub.f32 v3, v4;
	[tilespmem:s0+$0xBC00] =	vst v5;
	s0 =	simm.s32 $0x0;
	v4 =	vsub.f32 v6, v4  }
.LBB2_5:
0x33: {  	s6 =	smul.u32 $0xC3500, s21;
	_ =	sdelay $0x1  }
0x34: {  	s14 =	sadd.s32 s3, s6  }
0x35: {  	s14 =	sshrl.u32 s14, $0x3  }
0x36: {  	s15 =	simm.s32 $0x1180;
	s14 =	sadd.s32 s5, s14  }
0x37: {  	[tilespmem:s15], [sflag:$0x1] =	stream.linear.gather [hbm4b:s14+s0], $0xF80, $0x38;
	[tilespmem:$0xEA80] =	vst v63  }
0x38: {  	s17 =	sadd.s32 s6, s7;
	_ =	swait.ge [sflag:s20], $0xF80  }
0x39: {  	s14 =	sshrl.u32 s17, $0x3;
	[sflag:s20] =	ssyncset.done $0x0  }
0x3a: {  	s14 =	sadd.s32 s5, s14;
	[sflag:s20] =	ssyncadd.s32 $0xFFFFF080  }
0x3b: {  	[tilespmem:s22], [sflag:$0x1] =	stream.linear.gather [hbm4b:s14+s0], $0xF80, $0x38;
	[tilespmem:$0xEA80] =	vst v63  }
0x3c: {  	s18 =	sadd.s32 s6, s8;
	_ =	swait.ge [sflag:s20], $0xF80  }
0x3d: {  	s14 =	sshrl.u32 s18, $0x3;
	[sflag:s20] =	ssyncset.done $0x0  }
0x3e: {  	s14 =	sadd.s32 s5, s14;
	[sflag:s20] =	ssyncadd.s32 $0xFFFFF080  }
0x3f: {  	[tilespmem:s23], [sflag:$0x1] =	stream.linear.gather [hbm4b:s14+s0], $0xF80, $0x38;
	[tilespmem:$0xEA80] =	vst v63  }
0x40: {  	s16 =	sadd.s32 s6, s9;
	_ =	swait.ge [sflag:s20], $0xF80  }
0x41: {  	s14 =	sshrl.u32 s16, $0x3;
	[sflag:s20] =	ssyncset.done $0x0  }
0x42: {  	s14 =	sadd.s32 s5, s14;
	[sflag:s20] =	ssyncadd.s32 $0xFFFFF080  }
0x43: {  	[tilespmem:s24], [sflag:$0x1] =	stream.linear.gather [hbm4b:s14+s0], $0xF80, $0x38;
	[tilespmem:$0xEA80] =	vst v63  }
0x44: {  	s17 =	sadd.s32 s6, s10;
	_ =	swait.ge [sflag:s20], $0xF80  }
0x45: {  	s14 =	sshrl.u32 s17, $0x3;
	[sflag:s20] =	ssyncset.done $0x0  }
0x46: {  	s14 =	sadd.s32 s5, s14;
	[sflag:s20] =	ssyncadd.s32 $0xFFFFF080  }
0x47: {  	[tilespmem:s25], [sflag:$0x1] =	stream.linear.gather [hbm4b:s14+s0], $0xF80, $0x38;
	[tilespmem:$0xEA80] =	vst v63  }
0x48: {  	s18 =	sadd.s32 s6, s11;
	_ =	swait.ge [sflag:s20], $0xF80  }
0x49: {  	s14 =	sshrl.u32 s18, $0x3;
	[sflag:s20] =	ssyncset.done $0x0  }
0x4a: {  	s14 =	sadd.s32 s5, s14;
	[sflag:s20] =	ssyncadd.s32 $0xFFFFF080  }
0x4b: {  	[tilespmem:s26], [sflag:$0x1] =	stream.linear.gather [hbm4b:s14+s0], $0xF80, $0x38;
	[tilespmem:$0xEA80] =	vst v63  }
0x4c: {  	s16 =	sadd.s32 s6, s12;
	_ =	swait.ge [sflag:s20], $0xF80  }
0x4d: {  	s14 =	sshrl.u32 s16, $0x3;
	[sflag:s20] =	ssyncset.done $0x0  }
0x4e: {  	s14 =	sadd.s32 s5, s14;
	[sflag:s20] =	ssyncadd.s32 $0xFFFFF080  }
0x4f: {  	[tilespmem:s28], [sflag:$0x1] =	stream.linear.gather [hbm4b:s14+s0], $0xF80, $0x38;
	[tilespmem:$0xEA80] =	vst v63  }
0x50: {  	s6 =	sadd.s32 s6, s13;
	_ =	swait.ge [sflag:s20], $0xF80  }
0x51: {  	s6 =	sshrl.u32 s6, $0x3;
	[sflag:s20] =	ssyncset.done $0x0  }
0x52: {  	s6 =	sadd.s32 s5, s6;
	[sflag:s20] =	ssyncadd.s32 $0xFFFFF080  }
0x53: {  	[tilespmem:s29], [sflag:$0x1] =	stream.linear.gather [hbm4b:s6+s0], $0xF80, $0x38;
	[tilespmem:$0xEA80] =	vst v63  }
0x54: {  	_ =	swait.ge [sflag:s20], $0xF80  }
0x55: {  	[sflag:s20] =	ssyncset.done $0x0  }
0x56: {  	s6 =	simm.s32 $0xBC00;
	[sflag:s20] =	ssyncadd.s32 $0xFFFFF080  }
0x57: {  	s30 =	simm.s32 $0x8D80;
	v13 =	vld [tilespmem:s6+$0x0]  }
0x58: {  	v5 =	vld [tilespmem:s30+$0x0];
	_ =	sdelay $0x1  }
0x59: {  	v6 =	vld [tilespmem:s15+$0x0];
	_ =	sdelay $0x2  }
0x5a: {  	s17 =	sand.u32 $0xFF0, s0;
	v5 =	vadd.f32 v5, v13  }
0x5b: {  	v7 =	vld [tilespmem:s17+$0x2100]  }
0x5c: {  	v14 =	vadd.f32 v6, v5;
	_ =	sdelay $0x1  }
0x5d: {  	v5 =	vadd.f32 v14, v13  }
0x5e: {  	v6 =	vld [tilespmem:s17+$0x3080]  }
0x5f: {  	v15 =	vadd.f32 v5, v7;
	_ =	sdelay $0x1  }
0x60: {  	s18 =	scvt.s32.f32 s21;
	v7 =	vadd.f32 v15, v13  }
0x61: {  	v9 =	vld [tilespmem:s17+$0x4000]  }
0x62: {  	v5 =	vmov s18;
	v16 =	vadd.f32 v7, v6  }
0x63: {  	v5 =	vmul.f32 $8.000000000e+00, v5  }
0x64: {  	s14 =	simm.s32 $0xAC80;
	v17 =	vld [tilespmem:s17+$0x4F80];
	v10 =	vadd.f32 v16, v13  }
0x65: {  	s31 =	simm.s32 $0x9D00;
	v21 =	vld [tilespmem:s14+$0x0];
	v5 =	vbroadcast v5, $0x0  }
0x66: {  	v22 =	vld [tilespmem:s31+$0x0];
	vm0 =	vge.f32 v14, v3;
	vm1 =	vle.f32 v14, v4;
	v18 =	vadd.f32 v10, v9  }
0x67: {  	vm15 =	vge.f32 v15, v3;
	v6 =	vadd.f32 $1.000000000e+00, v5;
	v7 =	vadd.f32 $2.000000000e+00, v5  }
0x68: {  	vm2 =	vle.f32 v15, v4;
	v8 =	vadd.f32 $3.000000000e+00, v5;
	v19 =	vadd.f32 v18, v13  }
0x69: {  	v20 =	vld [tilespmem:s17+$0x5F00];
	v11 =	vadd.f32 $6.000000000e+00, v5;
	v12 =	vadd.f32 $7.000000000e+00, v5;
	v14 =	vnsel vm0, $0x4E6E6B28, v5  }
0x6a: {  	v27 =	vnsel vm1, $0x4E6E6B28, v5;
	vm4 =	vge.f32 v16, v3;
	v15 =	vadd.f32 v19, v17  }
0x6b: {  	vm5 =	vle.f32 v16, v4;
	v21 =	vmin.f32 v21, v27;
	v14 =	vmin.f32 v22, v14  }
0x6c: {  	v52 =	vnsel vm15, $0x4E6E6B28, v6;
	v53 =	vnsel vm2, $0x4E6E6B28, v6;
	v23 =	vadd.f32 v15, v13  }
0x6d: {  	v55 =	vld [tilespmem:s17+$0x6E80];
	v54 =	vnsel vm4, $0x4E6E6B28, v7;
	v24 =	vnsel vm5, $0x4E6E6B28, v7;
	v9 =	vadd.f32 $4.000000000e+00, v5  }
0x6e: {  	v10 =	vadd.f32 $5.000000000e+00, v5;
	v60 =	vmin.f32 v21, v53;
	v20 =	vadd.f32 v23, v20  }
0x6f: {  	v14 =	vmin.f32 v14, v52;
	v61 =	vmin.f32 v60, v24;
	vm7 =	vle.f32 v18, v4  }
0x70: {  	vm6 =	vge.f32 v18, v3;
	v56 =	vnsel vm7, $0x4E6E6B28, v8;
	v28 =	vadd.f32 v20, v13  }
0x71: {  	v57 =	vld [tilespmem:s17+$0x7E00];
	v14 =	vmin.f32 v14, v54;
	v25 =	vnsel vm6, $0x4E6E6B28, v8;
	v16 =	vmin.f32 v61, v56  }
0x72: {  	vm8 =	vge.f32 v15, v3;
	vm9 =	vle.f32 v15, v4;
	v18 =	vadd.f32 v28, v55  }
0x73: {  	v14 =	vmin.f32 v14, v25;
	v15 =	vnsel vm8, $0x4E6E6B28, v9;
	v26 =	vnsel vm9, $0x4E6E6B28, v9  }
0x74: {  	v16 =	vmin.f32 v16, v26;
	vm11 =	vle.f32 v20, v4;
	v13 =	vadd.f32 v18, v13  }
0x75: {  	v14 =	vmin.f32 v14, v15;
	vm10 =	vge.f32 v20, v3;
	v59 =	vnsel vm11, $0x4E6E6B28, v10  }
0x76: {  	v58 =	vnsel vm10, $0x4E6E6B28, v10;
	v15 =	vmin.f32 v16, v59;
	v13 =	vadd.f32 v13, v57  }
0x77: {  	v14 =	vmin.f32 v14, v58;
	vm12 =	vge.f32 v18, v3;
	vm13 =	vle.f32 v18, v4  }
0x78: {  	v62 =	vnsel vm12, $0x4E6E6B28, v11;
	v18 =	vnsel vm13, $0x4E6E6B28, v11;
	vm14 =	vge.f32 v13, v3  }
0x79: {  	v14 =	vmin.f32 v14, v62;
	vm15 =	vle.f32 v13, v4;
	v63 =	vnsel vm14, $0x4E6E6B28, v12  }
0x7a: {  	v15 =	vmin.f32 v15, v18;
	[tilespmem:s30+$0x0] =	vst v13;
	v13 =	vnsel vm15, $0x4E6E6B28, v12;
	v14 =	vmin.f32 v14, v63  }
0x7b: {  	s16 =	simm.s32 $0xAC90;
	s15 =	simm.s32 $0x10;
	s17 =	simm.s32 $0x1190;
	v13 =	vmin.f32 v15, v13;
	[tilespmem:s31+$0x0] =	vst v14  }
.LBB2_6:
0x7c: {  	[tilespmem:s14+$0x0] =	vst v13;
	s6 =	sadd.s32 $0x10, s6;
	s30 =	sadd.s32 $0x10, s30;
	s31 =	sadd.s32 $0x10, s31  }
0x7d: {  	p2 =	sne.s32 s15, $0xF70;
	s18 =	smov.u32 s15;
	s15 =	sadd.s32 $0x10, s15;
	v13 =	vld [tilespmem:s6+$0x0]  }
0x7e: {  	s14 =	smov.u32 s16;
	v14 =	vld [tilespmem:s30+$0x0];
	_ =	sdelay $0x1  }
0x7f: {  	v15 =	vld [tilespmem:s17+$0x0];
	_ =	sdelay $0x2  }
0x80: {  	s18 =	sand.u32 $0xFF0, s18;
	v14 =	vadd.f32 v14, v13  }
0x81: {  	v16 =	vld [tilespmem:s18+$0x2100]  }
0x82: {  	v14 =	vadd.f32 v15, v14;
	_ =	sdelay $0x1  }
0x83: {  	vm1 =	vge.f32 v14, v3;
	vm0 =	vle.f32 v14, v4;
	v14 =	vadd.f32 v14, v13  }
0x84: {  	v15 =	vnsel vm1, $0x4E6E6B28, v5;
	v17 =	vld [tilespmem:s18+$0x3080]  }
0x85: {  	v14 =	vadd.f32 v14, v16;
	_ =	sdelay $0x1  }
0x86: {  	vm1 =	vge.f32 v14, v3;
	vm2 =	vle.f32 v14, v4;
	v14 =	vadd.f32 v14, v13  }
0x87: {  	v16 =	vnsel vm1, $0x4E6E6B28, v6;
	v18 =	vnsel vm2, $0x4E6E6B28, v6;
	v19 =	vld [tilespmem:s18+$0x4000]  }
0x88: {  	v14 =	vadd.f32 v14, v17;
	_ =	sdelay $0x1  }
0x89: {  	vm1 =	vge.f32 v14, v3;
	vm2 =	vle.f32 v14, v4;
	v14 =	vadd.f32 v14, v13  }
0x8a: {  	v17 =	vnsel vm1, $0x4E6E6B28, v7;
	v20 =	vnsel vm2, $0x4E6E6B28, v7;
	v21 =	vld [tilespmem:s18+$0x4F80]  }
0x8b: {  	v14 =	vadd.f32 v14, v19;
	_ =	sdelay $0x1  }
0x8c: {  	vm1 =	vge.f32 v14, v3;
	vm2 =	vle.f32 v14, v4;
	v14 =	vadd.f32 v14, v13  }
0x8d: {  	v19 =	vnsel vm1, $0x4E6E6B28, v8;
	v22 =	vnsel vm2, $0x4E6E6B28, v8;
	v23 =	vld [tilespmem:s18+$0x5F00]  }
0x8e: {  	v24 =	vld [tilespmem:s16+$0x0];
	v14 =	vadd.f32 v14, v21;
	_ =	sdelay $0x1  }
0x8f: {  	v21 =	vld [tilespmem:s31+$0x0];
	vm1 =	vge.f32 v14, v3;
	vm2 =	vle.f32 v14, v4;
	v14 =	vadd.f32 v14, v13  }
0x90: {  	v25 =	vnsel vm1, $0x4E6E6B28, v9;
	v26 =	vnsel vm2, $0x4E6E6B28, v9;
	v27 =	vld [tilespmem:s18+$0x6E80]  }
0x91: {  	v28 =	vnsel vm0, $0x4E6E6B28, v5;
	v14 =	vadd.f32 v14, v23  }
0x92: {  	v23 =	vmin.f32 v24, v28  }
0x93: {  	vm0 =	vge.f32 v14, v3;
	vm1 =	vle.f32 v14, v4;
	v14 =	vadd.f32 v14, v13  }
0x94: {  	v15 =	vmin.f32 v21, v15;
	v21 =	vnsel vm0, $0x4E6E6B28, v10;
	v24 =	vnsel vm1, $0x4E6E6B28, v10;
	v28 =	vld [tilespmem:s18+$0x7E00]  }
0x95: {  	v15 =	vmin.f32 v15, v16;
	v16 =	vmin.f32 v23, v18;
	v14 =	vadd.f32 v14, v27  }
0x96: {  	v15 =	vmin.f32 v15, v17;
	v16 =	vmin.f32 v16, v20  }
0x97: {  	vm0 =	vge.f32 v14, v3;
	vm1 =	vle.f32 v14, v4;
	v13 =	vadd.f32 v14, v13  }
0x98: {  	v14 =	vmin.f32 v16, v22;
	v16 =	vnsel vm0, $0x4E6E6B28, v11;
	v17 =	vnsel vm1, $0x4E6E6B28, v11  }
0x99: {  	v15 =	vmin.f32 v15, v19;
	v14 =	vmin.f32 v14, v26;
	v13 =	vadd.f32 v13, v28  }
.Ltmp4:
0x9a: {  	v15 =	vmin.f32 v15, v25;
	v14 =	vmin.f32 v14, v24;
	(pc) =	sbr.rel @p2 .LBB2_6-.Ltmp4, $4  }
0x9b: {  	v15 =	vmin.f32 v15, v21;
	vm0 =	vge.f32 v13, v3;
	vm1 =	vle.f32 v13, v4;
	[tilespmem:s30+$0x0] =	vst v13  }
0x9c: {  	v13 =	vmin.f32 v15, v16;
	v15 =	vnsel vm0, $0x4E6E6B28, v12;
	v16 =	vnsel vm1, $0x4E6E6B28, v12  }
0x9d: {  	v14 =	vmin.f32 v14, v17;
	v15 =	vmin.f32 v13, v15  }
0x9e: {  	s17 =	sadd.s32 $0x10, s17;
	s16 =	sadd.s32 $0x10, s16;
	v13 =	vmin.f32 v14, v16;
	[tilespmem:s31+$0x0] =	vst v15  }
0x9f: {  	s21 =	sadd.s32 $0x1, s21  }
0xa0: {  	p2 =	sne.s32 s21, $0x19  }
.Ltmp5:
0xa1: {  	_ = 	snop;
	(pc) =	sbr.rel @p2 .LBB2_5-.Ltmp5, $2  }
0xa2: {  	_ =	sdelay $0x2  }
0xa3: {  	[tilespmem:s14+$0x0] =	vst v13  }
0xa4: {  	s6 =	simm.s32 $0x0  }
0xa5: {  	v3 =	vld [tilespmem:s6+$0x9D00]  }
0xa6: {  	v4 =	vld [tilespmem:s6+$0xAC80];
	_ =	sdelay $0x3  }
0xa7: {  	s0 =	simm.s32 $0x10  }
0xa8: {  	v5 =	vmin.f32 v3, v4;
	vm0 =	vle.f32 v3, v4;
	v3 =	vld [tilespmem:s0+$0x9D00]  }
0xa9: {  	v4 =	vld [tilespmem:s0+$0xAC80];
	v6 =	vmul.f32 $9.999999770e-03, v5  }
0xaa: {  	v7 =	vsel vm0, $0x3F800000, v1;
	vm15 =	vlt.f32 v5, $1.000000000e+09  }
0xab: {  	v5 =	vnsel vm15, $0x40000000, v6;
	v6 =	vnsel vm15, $0x3F000000, v7  }
0xac: {  	s14 =	simm.s32 $0x80;
	v5 =	vadd.f32 v5, v2;
	[tilespmem:s6+$0xDB00] =	vst v6  }
.LBB2_9:
0xad: {  	s15 =	sshra.s32 s14, $0x2;
	p2 =	sne.s32 s14, $0x3DC0  }
.Ltmp6:
0xae: {  	s14 =	sadd.s32 $0x40, s14;
	v6 =	vmin.f32 v3, v4;
	vm0 =	vle.f32 v3, v4;
	v3 =	vld [tilespmem:s15+$0x9D00];
	[tilespmem:s6+$0xCB80] =	vst v5;
	(pc) =	sbr.rel @p2 .LBB2_9-.Ltmp6, $4  }
0xaf: {  	s6 =	smov.u32 s0;
	s0 =	smov.u32 s15;
	v4 =	vld [tilespmem:s15+$0xAC80];
	v5 =	vmul.f32 $9.999999770e-03, v6;
	v7 =	vsel vm0, $0x3F800000, v1  }
0xb0: {  	vm0 =	vlt.f32 v6, $1.000000000e+09  }
0xb1: {  	v6 =	vnsel vm0, $0x3F000000, v7;
	v5 =	vnsel vm0, $0x40000000, v5  }
0xb2: {  	v5 =	vadd.f32 v5, v2;
	[tilespmem:s6+$0xDB00] =	vst v6  }
0xb3: {  	_ = 	snop  }
0xb4: {  	v6 =	vmin.f32 v3, v4  }
0xb5: {  	v7 =	vmul.f32 $9.999999770e-03, v6  }
0xb6: {  	vm0 =	vle.f32 v3, v4;
	vm1 =	vlt.f32 v6, $1.000000000e+09  }
0xb7: {  	v3 =	vsel vm0, $0x3F800000, v1;
	v63 =	vnsel vm1, $0x40000000, v7  }
0xb8: {  	[tilespmem:s6+$0xCB80] =	vst v5;
	v3 =	vnsel vm1, $0x3F000000, v3;
	v2 =	vadd.f32 v63, v2  }
0xb9: {  	[tilespmem:s0+$0xDB00] =	vst v3  }
0xba: {  	s18 =	rddreg [dreg:$0x5];
	s21 =	simm.s32 $0xCB80;
	[tilespmem:s0+$0xCB80] =	vst v2  }
0xbb: {  	[hbm4b:s18+s2] =	stream.linear.scatter [tilespmem:s21], [sflag:$0x1], $0xF80, $0x38;
	[tilespmem:$0xEA80] =	vst v63  }
0xbc: {  	_ =	swait.ge [sflag:s20], $0xF80  }
0xbd: {  	[sflag:s20] =	ssyncset.done $0x0  }
0xbe: {  	s31 =	simm.s32 $0xDB00;
	s30 =	rddreg [dreg:$0x6];
	[sflag:s20] =	ssyncadd.s32 $0xFFFFF080  }
0xbf: {  	[hbm4b:s30+s2] =	stream.linear.scatter [tilespmem:s31], [sflag:$0x1], $0xF80, $0x38;
	[tilespmem:$0xEA80] =	vst v63  }
0xc0: {  	_ =	swait.ge [sflag:s20], $0xF80  }
0xc1: {  	[sflag:s20] =	ssyncset.done $0x0  }
0xc2: {  	[sflag:s20] =	ssyncadd.s32 $0xFFFFF080  }
.LBB2_11:
.Ltmp7:
0xc3: {  	(pc) =	sbr.rel @p1 .LBB2_21-.Ltmp7, $1  }
0xc4: {  	_ =	sdelay $0x3  }
0xc5: {  	s0 =	simm.s32 $0x0  }
0xc6: {  	[tilespmem:s0], [sflag:$0x1] =	stream.linear.gather [hbm4b:s4+s0], $0x200, $0x38;
	[tilespmem:$0xEA80] =	vst v63  }
0xc7: {  	_ =	swait.ge [sflag:s20], $0x200  }
0xc8: {  	[sflag:s20] =	ssyncset.done $0x0  }
0xc9: {  	s14 =	simm.s32 $0x200;
	s6 =	rddreg [dreg:$0x7];
	[sflag:s20] =	ssyncadd.s32 $0xFFFFFE00  }
0xca: {  	[tilespmem:s14], [sflag:$0x1] =	stream.linear.gather [hbm4b:s6+s0], $0x320, $0x38;
	[tilespmem:$0xEA80] =	vst v63  }
0xcb: {  	_ =	swait.ge [sflag:s20], $0x320  }
0xcc: {  	[sflag:s20] =	ssyncset.done $0x0  }
0xcd: {  	[sflag:s20] =	ssyncadd.s32 $0xFFFFFCE0  }
0xce: {  	v3 =	vld [tilespmem:$0x0]  }
0xcf: {  	v2 =	vld [tilespmem:$0x80];
	_ =	sdelay $0x1  }
0xd0: {  	v5 =	vld [tilespmem:$0x180]  }
0xd1: {  	s0 =	simm.s32 $0x0  }
0xd2: {  	v6 =	vld [tilespmem:s0+$0x200]  }
0xd3: {  	v4 =	vmul.f32 v2, v3;
	v2 =	vld [tilespmem:$0x100];
	[tilespmem:s0+$0x9D00] =	vst v0  }
0xd4: {  	[tilespmem:s0+$0xAC80] =	vst v0  }
0xd5: {  	s6 =	simm.s32 $0x40;
	v5 =	vmul.f32 $9.999999770e-03, v5;
	[tilespmem:s0+$0x8D80] =	vst v4  }
.LBB2_13:
0xd6: {  	p2 =	sne.s32 s6, $0xC40  }
.Ltmp8:
0xd7: {  	s14 =	sshra.s32 s6, $0x2;
	s6 =	sadd.s32 $0x40, s6;
	v7 =	vmul.f32 v6, v5;
	(pc) =	sbr.rel @p2 .LBB2_13-.Ltmp8, $4  }
0xd8: {  	[tilespmem:s14+$0x8D80] =	vst v4;
	v6 =	vld [tilespmem:s14+$0x200]  }
0xd9: {  	[tilespmem:s0+$0xBC00] =	vst v7;
	s0 =	smov.u32 s14  }
0xda: {  	[tilespmem:s0+$0x9D00] =	vst v0  }
0xdb: {  	[tilespmem:s0+$0xAC80] =	vst v0  }
0xdc: {  	v7 =	vsub.f32 $0.0e+00, v3;
	_ =	sdelay $0x1  }
0xdd: {  	v3 =	vadd.f32 $-9.999999970e-07, v3;
	v5 =	vmul.f32 v6, v5;
	v6 =	vadd.f32 $9.999999970e-07, v7;
	_ =	sdelay $0x1  }
0xde: {  	s21 =	simm.s32 $0x0;
	v3 =	vsub.f32 v3, v4;
	[tilespmem:s0+$0xBC00] =	vst v5;
	s0 =	simm.s32 $0x0;
	v4 =	vsub.f32 v6, v4  }
.LBB2_15:
0xdf: {  	s6 =	smul.u32 $0xC3500, s21;
	_ =	sdelay $0x1  }
0xe0: {  	s6 =	sshrl.u32 s6, $0x3  }
0xe1: {  	s6 =	sadd.s32 s5, s6  }
0xe2: {  	s15 =	simm.s32 $0x1180;
	s14 =	sadd.s32 $0x3070, s6  }
0xe3: {  	[tilespmem:s15], [sflag:$0x1] =	stream.linear.gather [hbm4b:s14+s0], $0x320, $0x38;
	[tilespmem:$0xEA80] =	vst v63  }
0xe4: {  	_ =	swait.ge [sflag:s20], $0x320  }
0xe5: {  	[sflag:s20] =	ssyncset.done $0x0  }
0xe6: {  	s17 =	sadd.s32 $0x6144, s6;
	[sflag:s20] =	ssyncadd.s32 $0xFFFFFCE0  }
0xe7: {  	[tilespmem:s22], [sflag:$0x1] =	stream.linear.gather [hbm4b:s17+s0], $0x320, $0x38;
	[tilespmem:$0xEA80] =	vst v63  }
0xe8: {  	_ =	swait.ge [sflag:s20], $0x320  }
0xe9: {  	[sflag:s20] =	ssyncset.done $0x0  }
0xea: {  	s18 =	sadd.s32 $0x9218, s6;
	[sflag:s20] =	ssyncadd.s32 $0xFFFFFCE0  }
0xeb: {  	[tilespmem:s23], [sflag:$0x1] =	stream.linear.gather [hbm4b:s18+s0], $0x320, $0x38;
	[tilespmem:$0xEA80] =	vst v63  }
0xec: {  	_ =	swait.ge [sflag:s20], $0x320  }
0xed: {  	[sflag:s20] =	ssyncset.done $0x0  }
0xee: {  	s16 =	sadd.s32 $0xC2EC, s6;
	[sflag:s20] =	ssyncadd.s32 $0xFFFFFCE0  }
0xef: {  	[tilespmem:s24], [sflag:$0x1] =	stream.linear.gather [hbm4b:s16+s0], $0x320, $0x38;
	[tilespmem:$0xEA80] =	vst v63  }
0xf0: {  	_ =	swait.ge [sflag:s20], $0x320  }
0xf1: {  	[sflag:s20] =	ssyncset.done $0x0  }
0xf2: {  	s17 =	sadd.s32 $0xF3C0, s6;
	[sflag:s20] =	ssyncadd.s32 $0xFFFFFCE0  }
0xf3: {  	[tilespmem:s25], [sflag:$0x1] =	stream.linear.gather [hbm4b:s17+s0], $0x320, $0x38;
	[tilespmem:$0xEA80] =	vst v63  }
0xf4: {  	_ =	swait.ge [sflag:s20], $0x320  }
0xf5: {  	[sflag:s20] =	ssyncset.done $0x0  }
0xf6: {  	s18 =	sadd.s32 $0x12494, s6;
	[sflag:s20] =	ssyncadd.s32 $0xFFFFFCE0  }
0xf7: {  	[tilespmem:s26], [sflag:$0x1] =	stream.linear.gather [hbm4b:s18+s0], $0x320, $0x38;
	[tilespmem:$0xEA80] =	vst v63  }
0xf8: {  	_ =	swait.ge [sflag:s20], $0x320  }
0xf9: {  	[sflag:s20] =	ssyncset.done $0x0  }
0xfa: {  	s16 =	sadd.s32 $0x15568, s6;
	[sflag:s20] =	ssyncadd.s32 $0xFFFFFCE0  }
0xfb: {  	[tilespmem:s28], [sflag:$0x1] =	stream.linear.gather [hbm4b:s16+s0], $0x320, $0x38;
	[tilespmem:$0xEA80] =	vst v63  }
0xfc: {  	_ =	swait.ge [sflag:s20], $0x320  }
0xfd: {  	[sflag:s20] =	ssyncset.done $0x0  }
0xfe: {  	s6 =	sadd.s32 $0x1863C, s6;
	[sflag:s20] =	ssyncadd.s32 $0xFFFFFCE0  }
0xff: {  	[tilespmem:s29], [sflag:$0x1] =	stream.linear.gather [hbm4b:s6+s0], $0x320, $0x38;
	[tilespmem:$0xEA80] =	vst v63  }
0x100: {  	_ =	swait.ge [sflag:s20], $0x320  }
0x101: {  	[sflag:s20] =	ssyncset.done $0x0  }
0x102: {  	s6 =	simm.s32 $0xBC00;
	[sflag:s20] =	ssyncadd.s32 $0xFFFFFCE0  }
0x103: {  	s30 =	simm.s32 $0x8D80;
	v13 =	vld [tilespmem:s6+$0x0]  }
0x104: {  	v5 =	vld [tilespmem:s30+$0x0];
	_ =	sdelay $0x1  }
0x105: {  	v6 =	vld [tilespmem:s15+$0x0];
	_ =	sdelay $0x2  }
0x106: {  	s17 =	sand.u32 $0x3F0, s0;
	v5 =	vadd.f32 v5, v13  }
0x107: {  	v7 =	vld [tilespmem:s17+$0x2100]  }
0x108: {  	v14 =	vadd.f32 v6, v5;
	_ =	sdelay $0x1  }
0x109: {  	v5 =	vadd.f32 v14, v13  }
0x10a: {  	v6 =	vld [tilespmem:s17+$0x3080]  }
0x10b: {  	v15 =	vadd.f32 v5, v7;
	_ =	sdelay $0x1  }
0x10c: {  	s18 =	scvt.s32.f32 s21;
	v7 =	vadd.f32 v15, v13  }
0x10d: {  	v9 =	vld [tilespmem:s17+$0x4000]  }
0x10e: {  	v5 =	vmov s18;
	v16 =	vadd.f32 v7, v6  }
0x10f: {  	v5 =	vmul.f32 $8.000000000e+00, v5  }
0x110: {  	s14 =	simm.s32 $0xAC80;
	v17 =	vld [tilespmem:s17+$0x4F80];
	v10 =	vadd.f32 v16, v13  }
0x111: {  	s31 =	simm.s32 $0x9D00;
	v21 =	vld [tilespmem:s14+$0x0];
	v5 =	vbroadcast v5, $0x0  }
0x112: {  	v22 =	vld [tilespmem:s31+$0x0];
	vm0 =	vge.f32 v14, v3;
	vm1 =	vle.f32 v14, v4;
	v18 =	vadd.f32 v10, v9  }
0x113: {  	vm15 =	vge.f32 v15, v3;
	v6 =	vadd.f32 $1.000000000e+00, v5;
	v7 =	vadd.f32 $2.000000000e+00, v5  }
0x114: {  	vm2 =	vle.f32 v15, v4;
	v8 =	vadd.f32 $3.000000000e+00, v5;
	v19 =	vadd.f32 v18, v13  }
0x115: {  	v20 =	vld [tilespmem:s17+$0x5F00];
	v11 =	vadd.f32 $6.000000000e+00, v5;
	v12 =	vadd.f32 $7.000000000e+00, v5;
	v14 =	vnsel vm0, $0x4E6E6B28, v5  }
0x116: {  	v27 =	vnsel vm1, $0x4E6E6B28, v5;
	vm4 =	vge.f32 v16, v3;
	v15 =	vadd.f32 v19, v17  }
0x117: {  	vm5 =	vle.f32 v16, v4;
	v21 =	vmin.f32 v21, v27;
	v14 =	vmin.f32 v22, v14  }
0x118: {  	v52 =	vnsel vm15, $0x4E6E6B28, v6;
	v53 =	vnsel vm2, $0x4E6E6B28, v6;
	v23 =	vadd.f32 v15, v13  }
0x119: {  	v55 =	vld [tilespmem:s17+$0x6E80];
	v54 =	vnsel vm4, $0x4E6E6B28, v7;
	v24 =	vnsel vm5, $0x4E6E6B28, v7;
	v9 =	vadd.f32 $4.000000000e+00, v5  }
0x11a: {  	v10 =	vadd.f32 $5.000000000e+00, v5;
	v60 =	vmin.f32 v21, v53;
	v20 =	vadd.f32 v23, v20  }
0x11b: {  	v14 =	vmin.f32 v14, v52;
	v61 =	vmin.f32 v60, v24;
	vm7 =	vle.f32 v18, v4  }
0x11c: {  	vm6 =	vge.f32 v18, v3;
	v56 =	vnsel vm7, $0x4E6E6B28, v8;
	v28 =	vadd.f32 v20, v13  }
0x11d: {  	v57 =	vld [tilespmem:s17+$0x7E00];
	v14 =	vmin.f32 v14, v54;
	v25 =	vnsel vm6, $0x4E6E6B28, v8;
	v16 =	vmin.f32 v61, v56  }
0x11e: {  	vm8 =	vge.f32 v15, v3;
	vm9 =	vle.f32 v15, v4;
	v18 =	vadd.f32 v28, v55  }
0x11f: {  	v14 =	vmin.f32 v14, v25;
	v15 =	vnsel vm8, $0x4E6E6B28, v9;
	v26 =	vnsel vm9, $0x4E6E6B28, v9  }
0x120: {  	v16 =	vmin.f32 v16, v26;
	vm11 =	vle.f32 v20, v4;
	v13 =	vadd.f32 v18, v13  }
0x121: {  	v14 =	vmin.f32 v14, v15;
	vm10 =	vge.f32 v20, v3;
	v59 =	vnsel vm11, $0x4E6E6B28, v10  }
0x122: {  	v58 =	vnsel vm10, $0x4E6E6B28, v10;
	v15 =	vmin.f32 v16, v59;
	v13 =	vadd.f32 v13, v57  }
0x123: {  	v14 =	vmin.f32 v14, v58;
	vm12 =	vge.f32 v18, v3;
	vm13 =	vle.f32 v18, v4  }
0x124: {  	v62 =	vnsel vm12, $0x4E6E6B28, v11;
	v18 =	vnsel vm13, $0x4E6E6B28, v11;
	vm14 =	vge.f32 v13, v3  }
0x125: {  	v14 =	vmin.f32 v14, v62;
	vm15 =	vle.f32 v13, v4;
	v63 =	vnsel vm14, $0x4E6E6B28, v12  }
0x126: {  	v15 =	vmin.f32 v15, v18;
	[tilespmem:s30+$0x0] =	vst v13;
	v13 =	vnsel vm15, $0x4E6E6B28, v12;
	v14 =	vmin.f32 v14, v63  }
0x127: {  	s16 =	simm.s32 $0xAC90;
	s15 =	simm.s32 $0x10;
	s17 =	simm.s32 $0x1190;
	v13 =	vmin.f32 v15, v13;
	[tilespmem:s31+$0x0] =	vst v14  }
.LBB2_16:
0x128: {  	[tilespmem:s14+$0x0] =	vst v13;
	s6 =	sadd.s32 $0x10, s6;
	s30 =	sadd.s32 $0x10, s30;
	s31 =	sadd.s32 $0x10, s31  }
0x129: {  	p2 =	sne.s32 s15, $0x310;
	s18 =	smov.u32 s15;
	s15 =	sadd.s32 $0x10, s15;
	v13 =	vld [tilespmem:s6+$0x0]  }
0x12a: {  	s14 =	smov.u32 s16;
	v14 =	vld [tilespmem:s30+$0x0];
	_ =	sdelay $0x1  }
0x12b: {  	v15 =	vld [tilespmem:s17+$0x0];
	_ =	sdelay $0x2  }
0x12c: {  	s18 =	sand.u32 $0x3F0, s18;
	v14 =	vadd.f32 v14, v13  }
0x12d: {  	v16 =	vld [tilespmem:s18+$0x2100]  }
0x12e: {  	v14 =	vadd.f32 v15, v14;
	_ =	sdelay $0x1  }
0x12f: {  	vm1 =	vge.f32 v14, v3;
	vm0 =	vle.f32 v14, v4;
	v14 =	vadd.f32 v14, v13  }
0x130: {  	v15 =	vnsel vm1, $0x4E6E6B28, v5;
	v17 =	vld [tilespmem:s18+$0x3080]  }
0x131: {  	v14 =	vadd.f32 v14, v16;
	_ =	sdelay $0x1  }
0x132: {  	vm1 =	vge.f32 v14, v3;
	vm2 =	vle.f32 v14, v4;
	v14 =	vadd.f32 v14, v13  }
0x133: {  	v16 =	vnsel vm1, $0x4E6E6B28, v6;
	v18 =	vnsel vm2, $0x4E6E6B28, v6;
	v19 =	vld [tilespmem:s18+$0x4000]  }
0x134: {  	v14 =	vadd.f32 v14, v17;
	_ =	sdelay $0x1  }
0x135: {  	vm1 =	vge.f32 v14, v3;
	vm2 =	vle.f32 v14, v4;
	v14 =	vadd.f32 v14, v13  }
0x136: {  	v17 =	vnsel vm1, $0x4E6E6B28, v7;
	v20 =	vnsel vm2, $0x4E6E6B28, v7;
	v21 =	vld [tilespmem:s18+$0x4F80]  }
0x137: {  	v14 =	vadd.f32 v14, v19;
	_ =	sdelay $0x1  }
0x138: {  	vm1 =	vge.f32 v14, v3;
	vm2 =	vle.f32 v14, v4;
	v14 =	vadd.f32 v14, v13  }
0x139: {  	v19 =	vnsel vm1, $0x4E6E6B28, v8;
	v22 =	vnsel vm2, $0x4E6E6B28, v8;
	v23 =	vld [tilespmem:s18+$0x5F00]  }
0x13a: {  	v24 =	vld [tilespmem:s16+$0x0];
	v14 =	vadd.f32 v14, v21;
	_ =	sdelay $0x1  }
0x13b: {  	v21 =	vld [tilespmem:s31+$0x0];
	vm1 =	vge.f32 v14, v3;
	vm2 =	vle.f32 v14, v4;
	v14 =	vadd.f32 v14, v13  }
0x13c: {  	v25 =	vnsel vm1, $0x4E6E6B28, v9;
	v26 =	vnsel vm2, $0x4E6E6B28, v9;
	v27 =	vld [tilespmem:s18+$0x6E80]  }
0x13d: {  	v28 =	vnsel vm0, $0x4E6E6B28, v5;
	v14 =	vadd.f32 v14, v23  }
0x13e: {  	v23 =	vmin.f32 v24, v28  }
0x13f: {  	vm0 =	vge.f32 v14, v3;
	vm1 =	vle.f32 v14, v4;
	v14 =	vadd.f32 v14, v13  }
0x140: {  	v15 =	vmin.f32 v21, v15;
	v21 =	vnsel vm0, $0x4E6E6B28, v10;
	v24 =	vnsel vm1, $0x4E6E6B28, v10;
	v28 =	vld [tilespmem:s18+$0x7E00]  }
0x141: {  	v15 =	vmin.f32 v15, v16;
	v16 =	vmin.f32 v23, v18;
	v14 =	vadd.f32 v14, v27  }
0x142: {  	v15 =	vmin.f32 v15, v17;
	v16 =	vmin.f32 v16, v20  }
0x143: {  	vm0 =	vge.f32 v14, v3;
	vm1 =	vle.f32 v14, v4;
	v13 =	vadd.f32 v14, v13  }
0x144: {  	v14 =	vmin.f32 v16, v22;
	v16 =	vnsel vm0, $0x4E6E6B28, v11;
	v17 =	vnsel vm1, $0x4E6E6B28, v11  }
0x145: {  	v15 =	vmin.f32 v15, v19;
	v14 =	vmin.f32 v14, v26;
	v13 =	vadd.f32 v13, v28  }
.Ltmp9:
0x146: {  	v15 =	vmin.f32 v15, v25;
	v14 =	vmin.f32 v14, v24;
	(pc) =	sbr.rel @p2 .LBB2_16-.Ltmp9, $4  }
0x147: {  	v15 =	vmin.f32 v15, v21;
	vm0 =	vge.f32 v13, v3;
	vm1 =	vle.f32 v13, v4;
	[tilespmem:s30+$0x0] =	vst v13  }
0x148: {  	v13 =	vmin.f32 v15, v16;
	v15 =	vnsel vm0, $0x4E6E6B28, v12;
	v16 =	vnsel vm1, $0x4E6E6B28, v12  }
0x149: {  	v14 =	vmin.f32 v14, v17;
	v15 =	vmin.f32 v13, v15  }
0x14a: {  	s17 =	sadd.s32 $0x10, s17;
	s16 =	sadd.s32 $0x10, s16;
	v13 =	vmin.f32 v14, v16;
	[tilespmem:s31+$0x0] =	vst v15  }
0x14b: {  	s21 =	sadd.s32 $0x1, s21  }
0x14c: {  	p2 =	sne.s32 s21, $0x19  }
.Ltmp10:
0x14d: {  	_ = 	snop;
	(pc) =	sbr.rel @p2 .LBB2_15-.Ltmp10, $2  }
0x14e: {  	_ =	sdelay $0x2  }
0x14f: {  	[tilespmem:s14+$0x0] =	vst v13  }
0x150: {  	s6 =	simm.s32 $0x0  }
0x151: {  	v3 =	vld [tilespmem:s6+$0x9D00]  }
0x152: {  	v4 =	vld [tilespmem:s6+$0xAC80];
	_ =	sdelay $0x3  }
0x153: {  	s0 =	simm.s32 $0x10  }
0x154: {  	v5 =	vmin.f32 v3, v4;
	vm0 =	vle.f32 v3, v4;
	v3 =	vld [tilespmem:s0+$0x9D00]  }
0x155: {  	v4 =	vld [tilespmem:s0+$0xAC80];
	v6 =	vmul.f32 $9.999999770e-03, v5  }
0x156: {  	v7 =	vsel vm0, $0x3F800000, v1;
	vm15 =	vlt.f32 v5, $1.000000000e+09  }
0x157: {  	v5 =	vnsel vm15, $0x40000000, v6;
	v6 =	vnsel vm15, $0x3F000000, v7  }
0x158: {  	s14 =	simm.s32 $0x80;
	v5 =	vadd.f32 v5, v2;
	[tilespmem:s6+$0xDB00] =	vst v6  }
.LBB2_19:
0x159: {  	s15 =	sshra.s32 s14, $0x2;
	p2 =	sne.s32 s14, $0xC40  }
.Ltmp11:
0x15a: {  	s14 =	sadd.s32 $0x40, s14;
	v6 =	vmin.f32 v3, v4;
	vm0 =	vle.f32 v3, v4;
	v3 =	vld [tilespmem:s15+$0x9D00];
	[tilespmem:s6+$0xCB80] =	vst v5;
	(pc) =	sbr.rel @p2 .LBB2_19-.Ltmp11, $4  }
0x15b: {  	s6 =	smov.u32 s0;
	s0 =	smov.u32 s15;
	v4 =	vld [tilespmem:s15+$0xAC80];
	v5 =	vmul.f32 $9.999999770e-03, v6;
	v7 =	vsel vm0, $0x3F800000, v1  }
0x15c: {  	vm0 =	vlt.f32 v6, $1.000000000e+09  }
0x15d: {  	v6 =	vnsel vm0, $0x3F000000, v7;
	v5 =	vnsel vm0, $0x40000000, v5  }
0x15e: {  	v5 =	vadd.f32 v5, v2;
	[tilespmem:s6+$0xDB00] =	vst v6  }
0x15f: {  	_ = 	snop  }
0x160: {  	v6 =	vmin.f32 v3, v4  }
0x161: {  	v7 =	vmul.f32 $9.999999770e-03, v6  }
0x162: {  	vm0 =	vle.f32 v3, v4;
	vm1 =	vlt.f32 v6, $1.000000000e+09  }
0x163: {  	v3 =	vsel vm0, $0x3F800000, v1;
	v63 =	vnsel vm1, $0x40000000, v7  }
0x164: {  	[tilespmem:s6+$0xCB80] =	vst v5;
	v3 =	vnsel vm1, $0x3F000000, v3;
	v2 =	vadd.f32 v63, v2  }
0x165: {  	[tilespmem:s0+$0xDB00] =	vst v3  }
0x166: {  	s18 =	rddreg [dreg:$0x8];
	s21 =	simm.s32 $0xCB80;
	[tilespmem:s0+$0xCB80] =	vst v2  }
0x167: {  	[hbm4b:s18+s2] =	stream.linear.scatter [tilespmem:s21], [sflag:$0x1], $0x320, $0x38;
	[tilespmem:$0xEA80] =	vst v63  }
0x168: {  	_ =	swait.ge [sflag:s20], $0x320  }
0x169: {  	s31 =	simm.s32 $0xDB00;
	[sflag:s20] =	ssyncset.done $0x0  }
.Ltmp12:
0x16a: {  	s30 =	rddreg [dreg:$0x9];
	[sflag:s20] =	ssyncadd.s32 $0xFFFFFCE0;
	(pc) =	sbr.rel .LBB2_21-.Ltmp12, $4  }
0x16b: {  	[hbm4b:s30+s2] =	stream.linear.scatter [tilespmem:s31], [sflag:$0x1], $0x320, $0x38;
	[tilespmem:$0xEA80] =	vst v63  }
0x16c: {  	_ =	swait.ge [sflag:s20], $0x320  }
0x16d: {  	[sflag:s20] =	ssyncset.done $0x0  }
0x16e: {  	[sflag:s20] =	ssyncadd.s32 $0xFFFFFCE0  }
.LBB2_22:
0x16f: {  	_ =	sfence.sel $0x180000  }
0x170: {  	[bflag:$0x0] =	sbarrier.arrive $0xFFFF  }
0x171: {  	_ =	strace $0x90000047  }
0x172: {  	s0 =	stileid.u32;
	[bflag:$0x2] =	sbarrier.arrive $0xFFFF  }
0x173: {  	p0 =	sne.s32 s0, $0x0;
	s0 =	rddreg [dreg:$0x3]  }
0x174: {  	s0 =	sadd.s32 @!p0 $0x100000, s0  }
0x175: {  	[sflag:s0] =	ssyncadd.tile.s32 @!p0 $0x1;
	_ =	shalt  }
.Lfunc_end2:
_tile_overlayer_lowered:
.L_overlay_start_2:
0x176: {  	(tag) =	ssettag $0x2  }
0x177: {  	s0 =	rddreg [dreg:$0x0];
	s2 =	stileid.u32  }
0x178: {  	s1 =	rddreg [dreg:$0x1];
	p0 =	sne.s32 s2, $0x0  }
0x179: {  	s3 =	rddreg [dreg:$0x2];
	[bflag:$0x3] =	sbarrier.arrive $0xFFFF;
	s2 =	simm.s32 @!p0 $0x1C01  }
0x17a: {  	[timem:s3], [sflag:s2] =	dma.local @!p0 [hbm:s0], s1  }
0x17b: {  	s0 =	simm.s32 @!p0 $0x1  }
0x17c: {  	_ =	swait.ge @!p0 [sflag:s0], s1  }
0x17d: {  	s1 =	ssub.s32 @!p0 $0x0, s1;
	[sflag:s0] =	ssyncset.done @!p0 $0x0  }
0x17e: {  	[sflag:s0] =	ssyncadd.s32 @!p0 s1  }
0x17f: {  	[bflag:$0x3] =	sbarrier.arrive $0xFFFF  }
0x180: {  	_ =	shalt  }

</sc_bundles>
